<compile_context>
chip_gen: v7x
topology: tpu7x:2x2x1
jax: 0.10.2.dev20260603
libtpu: 0.0.44.dev20260713+nightly
codegen_flags: <defaults>
</compile_context>

<pallas_src>
import jax
import jax.numpy as jnp
from jax import lax
from jax.experimental import pallas as pl
from jax.experimental.pallas import tpu as pltpu
from jax.experimental.pallas import tpu_sc as plsc

VOCAB = 100000
HIDDEN = 1024
VIS_DIM = 1024
B = 4
SEQ = 2048
NVIS = 256

NC = 2
NS = 16
NW = NC * NS

TOTTOK = B * SEQ
TOK_PER_W = TOTTOK // NW
CHUNK = 32
NCHUNK = TOK_PER_W // CHUNK

NVROW = B * NVIS
W_PER_B = NW // B
OUT_ROWS = B * (NVIS + SEQ)
ROW_STRIDE = NVIS + SEQ


def _mm_body(x_ref, w_ref, b_ref, o_ref):
    o_ref[...] = lax.dot_general(
        x_ref[...], w_ref[...],
        (((1,), (1,)), ((), ())),
        preferred_element_type=jnp.float32,
    ) + b_ref[...][None, :]


def _project(visf, W, b_lin):
    return pl.pallas_call(
        _mm_body,
        out_shape=jax.ShapeDtypeStruct((NVROW, HIDDEN), jnp.float32),
    )(visf, W, b_lin)


def _place_body(vis_ref, big_ref, o_ref):
    o_ref[...] = vis_ref[...]


def _place_vis(vis, big):
    return pl.pallas_call(
        _place_body,
        grid=(2,),
        in_specs=[
            pl.BlockSpec((B // 2, NVIS, HIDDEN), lambda i: (i, 0, 0)),
            pl.BlockSpec(memory_space=pl.ANY),
        ],
        out_specs=pl.BlockSpec((B // 2, NVIS, HIDDEN), lambda i: (i, 0, 0)),
        out_shape=jax.ShapeDtypeStruct((B, ROW_STRIDE, HIDDEN), jnp.float32),
        input_output_aliases={1: 0},
    )(vis, big)


def _sc_body(tok_hbm, table_hbm, out_hbm,
             idx_v, rows_v, gsem0, gsem1, gsem2, wsem0, wsem1, wsem2):
    cid = lax.axis_index("c")
    sid = lax.axis_index("s")
    wid = sid * NC + cid
    batch = wid // W_PER_B
    sub = wid % W_PER_B
    gsem = (gsem0, gsem1, gsem2)
    wsem = (wsem0, wsem1, wsem2)

    txt_base = batch * ROW_STRIDE + NVIS + sub * TOK_PER_W

    pltpu.sync_copy(tok_hbm.at[pl.ds(wid * (TOK_PER_W // 128), TOK_PER_W // 128)],
                    idx_v)

    def idx_at(c):
        return idx_v.at[c * CHUNK // 128, pl.ds((c * CHUNK) % 128, CHUNK)]

    g = [None] * NCHUNK
    w = [None] * NCHUNK
    g[0] = pltpu.async_copy(table_hbm.at[idx_at(0)], rows_v.at[0], gsem[0])
    g[1] = pltpu.async_copy(table_hbm.at[idx_at(1)], rows_v.at[1], gsem[1])
    for c in range(NCHUNK):
        cur = c % 3
        if c + 2 < NCHUNK:
            nxt = (c + 2) % 3
            if c >= 1:
                w[c - 1].wait()
            g[c + 2] = pltpu.async_copy(table_hbm.at[idx_at(c + 2)],
                                        rows_v.at[nxt], gsem[nxt])
        g[c].wait()
        w[c] = pltpu.async_copy(rows_v.at[cur],
                                out_hbm.at[pl.ds(txt_base + c * CHUNK, CHUNK)],
                                wsem[cur])
    w[NCHUNK - 3].wait()
    w[NCHUNK - 2].wait()
    w[NCHUNK - 1].wait()


_sc_call = pl.kernel(
    _sc_body,
    out_type=jax.ShapeDtypeStruct((OUT_ROWS, HIDDEN), jnp.float32),
    mesh=plsc.VectorSubcoreMesh(core_axis_name="c", subcore_axis_name="s",
                                num_cores=NC, num_subcores=NS),
    scratch_types=[
        pltpu.VMEM((TOK_PER_W // 128, 128), jnp.int32),
        pltpu.VMEM((3, CHUNK, HIDDEN), jnp.float32),
        pltpu.SemaphoreType.DMA,
        pltpu.SemaphoreType.DMA,
        pltpu.SemaphoreType.DMA,
        pltpu.SemaphoreType.DMA,
        pltpu.SemaphoreType.DMA,
        pltpu.SemaphoreType.DMA,
    ],
)


def kernel(text_tokens, visual_embeddings, W, b_lin, table):
    visf = visual_embeddings.reshape(NVROW, VIS_DIM)
    tok = text_tokens.reshape(TOTTOK // 128, 128).astype(jnp.int32)
    big = _sc_call(tok, table)
    vis = _project(visf, W, b_lin)
    return _place_vis(vis.reshape(B, NVIS, HIDDEN),
                      big.reshape(B, ROW_STRIDE, HIDDEN))

# --- scband reference (transcript-rebuilt; emitter-appended) ---
"""Pipeline reference for scband-vlmembedding-16844861735184 (READ-ONLY COPY).

The authoritative reference and input builder live on the scoring server;
editing this copy changes nothing except your own understanding.
"""

import jax, jax.numpy as jnp
import numpy as np

VOCAB = 100000
HIDDEN = 1024
VIS_DIM = 1024
PAD_IDX = 0
B = 4
SEQ = 2048
NVIS = 256


def setup_inputs(seed: int = 0) -> dict:
    key = jax.random.key(seed)
    k1, k2, k3, k4, k5 = jax.random.split(key, 5)
    text_tokens = jax.random.randint(k1, (B, SEQ), 0, VOCAB, dtype=jnp.int64 if jax.config.jax_enable_x64 else jnp.int32)
    visual_embeddings = jax.random.normal(k2, (B, NVIS, VIS_DIM), dtype=jnp.float32)
    # Linear projector params (torch nn.Linear: y = x @ W.T + b)
    W = jax.random.normal(k3, (HIDDEN, VIS_DIM), dtype=jnp.float32) * 0.02
    b_lin = jax.random.normal(k4, (HIDDEN,), dtype=jnp.float32) * 0.02
    # Embedding table; torch zeros the padding_idx row at init
    table = jax.random.normal(k5, (VOCAB, HIDDEN), dtype=jnp.float32) * 0.02
    table = table.at[PAD_IDX].set(0.0)
    return {
        "text_tokens": text_tokens,
        "visual_embeddings": visual_embeddings,
        "W": W,
        "b_lin": b_lin,
        "table": table,
    }


def reference(text_tokens, visual_embeddings, W, b_lin, table):
    # linear_projector(visual_embeddings)
    vis = jnp.einsum('bnd,hd->bnh', visual_embeddings, W) + b_lin
    # text_embeddings lookup (SparseCore-friendly gather)
    txt = jnp.take(table, text_tokens, axis=0)
    # concat along sequence dim
    return jnp.concatenate((vis, txt), axis=1)

if __name__ == "__main__":
    import jax
    _d = setup_inputs()
    print(jax.jit(kernel)(*tuple(_d.values())))

</pallas_src>

<mosaic_0001>
#map = affine_map<(d0, d1) -> (0, 0)>
module attributes {stable_mosaic.version = 14 : i64} {
  func.func @_sc_body(%arg0: i32, %arg1: i32, %arg2: memref<64x128xi32, #tpu.memory_space<hbm>>, %arg3: memref<100000x1024xf32, #tpu.memory_space<hbm>>, %arg4: memref<9216x1024xf32, #tpu.memory_space<hbm>>, %arg5: memref<2x128xi32, #tpu.memory_space<vmem>>, %arg6: memref<3x32x1024xf32, #tpu.memory_space<vmem>>, %arg7: memref<!tpu.dma_semaphore, #tpu.memory_space<semaphore_mem>>, %arg8: memref<!tpu.dma_semaphore, #tpu.memory_space<semaphore_mem>>, %arg9: memref<!tpu.dma_semaphore, #tpu.memory_space<semaphore_mem>>, %arg10: memref<!tpu.dma_semaphore, #tpu.memory_space<semaphore_mem>>, %arg11: memref<!tpu.dma_semaphore, #tpu.memory_space<semaphore_mem>>, %arg12: memref<!tpu.dma_semaphore, #tpu.memory_space<semaphore_mem>>) attributes {dimension_semantics = [#tpu.dimension_semantics<core_parallel>, #tpu.dimension_semantics<subcore_parallel>], iteration_bounds = array<i64: 2, 16>, scalar_prefetch = 0 : i64, scratch_operands = 8 : i64, tpu.core_type = #tpu.core_type<sc_vector_subcore>, window_params = [{transform_indices = #map}, {transform_indices = #map}, {transform_indices = #map}]} {
    %mul3A = arith.constant 2 : i32
    %mul3A_0 = arith.muli %arg1, %mul3A : i32
    %add3A = arith.addi %mul3A_0, %arg0 : i32
    %jit3A = arith.constant 8 : i32
    %div3A = arith.divsi %add3A, %jit3A : i32
    %sign3A = arith.constant 0 : i32
    %sign3A_1 = arith.cmpi sgt, %add3A, %sign3A : i32
    %sign3A_2 = arith.extui %sign3A_1 : i1 to i32
    %sign3A_3 = arith.constant 0 : i32
    %sign3A_4 = arith.cmpi slt, %add3A, %sign3A_3 : i32
    %sign3A_5 = arith.extui %sign3A_4 : i1 to i32
    %sign3A_6 = arith.subi %sign3A_2, %sign3A_5 : i32
    %sign3A_7 = arith.constant 0 : i32
    %sign3A_8 = arith.cmpi sgt, %jit3A, %sign3A_7 : i32
    %sign3A_9 = arith.extui %sign3A_8 : i1 to i32
    %sign3A_10 = arith.constant 0 : i32
    %sign3A_11 = arith.cmpi slt, %jit3A, %sign3A_10 : i32
    %sign3A_12 = arith.extui %sign3A_11 : i1 to i32
    %sign3A_13 = arith.subi %sign3A_9, %sign3A_12 : i32
    %ne3A = arith.cmpi ne, %sign3A_6, %sign3A_13 : i32
    %rem3A = arith.remsi %add3A, %jit3A : i32
    %ne3A_14 = arith.constant 0 : i32
    %ne3A_15 = arith.cmpi ne, %rem3A, %ne3A_14 : i32
    %and3A = arith.andi %ne3A, %ne3A_15 : i1
    %sub3A = arith.constant 1 : i32
    %sub3A_16 = arith.subi %div3A, %sub3A : i32
    %select_n3A = arith.select %and3A, %sub3A_16, %div3A : i32
    %jit3A_17 = arith.constant 8 : i32
    %eq3A = arith.constant 0 : i32
    %eq3A_18 = arith.cmpi eq, %jit3A_17, %eq3A : i32
    %jit3A_19 = arith.constant 1 : i32
    %select_n3A_20 = arith.select %eq3A_18, %jit3A_19, %jit3A_17 : i32
    %rem3A_21 = arith.remsi %add3A, %select_n3A_20 : i32
    %ne3A_22 = arith.constant 0 : i32
    %ne3A_23 = arith.cmpi ne, %rem3A_21, %ne3A_22 : i32
    %lt3A = arith.constant 0 : i32
    %lt3A_24 = arith.cmpi slt, %rem3A_21, %lt3A : i32
    %lt3A_25 = arith.constant 0 : i32
    %lt3A_26 = arith.cmpi slt, %select_n3A_20, %lt3A_25 : i32
    %ne3A_27 = arith.xori %lt3A_24, %lt3A_26 : i1
    %and3A_28 = arith.andi %ne3A_27, %ne3A_23 : i1
    %add3A_29 = arith.addi %rem3A_21, %select_n3A_20 : i32
    %select_n3A_30 = arith.select %and3A_28, %add3A_29, %rem3A_21 : i32
    %mul3A_31 = arith.constant 2304 : i32
    %mul3A_32 = arith.muli %select_n3A, %mul3A_31 : i32
    %add3A_33 = arith.constant 256 : i32
    %add3A_34 = arith.addi %mul3A_32, %add3A_33 : i32
    %mul3A_35 = arith.constant 256 : i32
    %mul3A_36 = arith.muli %select_n3A_30, %mul3A_35 : i32
    %add3A_37 = arith.addi %add3A_34, %mul3A_36 : i32
    %mul3A_38 = arith.constant 2 : i32
    %mul3A_39 = arith.muli %add3A, %mul3A_38 : i32
    "tpu.region"() ({
      %run_scoped3A = tpu.sem_alloc : memref<!tpu.dma_semaphore, #tpu.memory_space<semaphore_mem>>
      %dma_start3A_454 = arith.constant 0 : i32
      %dma_start3A_455 = tpu.memref_slice %arg2[%mul3A_39, %dma_start3A_454] : memref<64x128xi32, #tpu.memory_space<hbm>> -> memref<2x128xi32, #tpu.memory_space<hbm>>
      %dma_start3A_456 = arith.constant 0 : i32
      %dma_start3A_457 = tpu.memref_slice %arg2[%mul3A_39, %dma_start3A_456] : memref<64x128xi32, #tpu.memory_space<hbm>> -> memref<2x128xi32, #tpu.memory_space<hbm>>
      tpu.enqueue_dma source(%dma_start3A_457 : memref<2x128xi32, #tpu.memory_space<hbm>>) target(%arg5 : memref<2x128xi32, #tpu.memory_space<vmem>>) target_semaphore(%run_scoped3A : memref<!tpu.dma_semaphore, #tpu.memory_space<semaphore_mem>>)
      %dma_wait3A_458 = arith.constant 0 : i32
      %dma_wait3A_459 = tpu.memref_slice %arg2[%mul3A_39, %dma_wait3A_458] : memref<64x128xi32, #tpu.memory_space<hbm>> -> memref<2x128xi32, #tpu.memory_space<hbm>>
      %dma_wait3A_460 = arith.constant 0 : i32
      %dma_wait3A_461 = tpu.memref_slice %arg2[%mul3A_39, %dma_wait3A_460] : memref<64x128xi32, #tpu.memory_space<hbm>> -> memref<2x128xi32, #tpu.memory_space<hbm>>
      tpu.wait_dma2 semaphore(%run_scoped3A : memref<!tpu.dma_semaphore, #tpu.memory_space<semaphore_mem>>) src(%dma_wait3A_461 : memref<2x128xi32, #tpu.memory_space<hbm>>) dst(%arg5 : memref<2x128xi32, #tpu.memory_space<vmem>>)
      tpu.yield
    }) : () -> ()
    %dma_start3A = arith.constant 0 : i32
    %dma_start3A_40 = arith.constant 0 : i32
    %dma_start3A_41 = arith.constant 0 : i32
    %dma_start3A_42 = arith.constant 0 : i32
    %dma_start3A_43 = tpu.memref_slice %arg6[%dma_start3A_40, %dma_start3A_41, %dma_start3A_42] : memref<3x32x1024xf32, #tpu.memory_space<vmem>> -> memref<1x32x1024xf32, #tpu.memory_space<vmem>>
    %dma_start3A_44 = tpu.memref_squeeze %dma_start3A_43 : memref<1x32x1024xf32, #tpu.memory_space<vmem>> -> memref<32x1024xf32, #tpu.memory_space<vmem>>
    %dma_start3A_45 = arith.constant 0 : i32
    %dma_start3A_46 = tpu.memref_slice %arg5[%dma_start3A, %dma_start3A_45] : memref<2x128xi32, #tpu.memory_space<vmem>> -> memref<1x32xi32, #tpu.memory_space<vmem>>
    %dma_start3A_47 = tpu.memref_squeeze %dma_start3A_46 : memref<1x32xi32, #tpu.memory_space<vmem>> -> memref<32xi32, #tpu.memory_space<vmem>>
    %dma_start3A_48 = arith.constant 0 : i32
    %dma_start3A_49 = arith.constant 0 : i32
    %dma_start3A_50 = tpu.memref_slice %arg3[%dma_start3A_48, %dma_start3A_49] : memref<100000x1024xf32, #tpu.memory_space<hbm>> -> memref<100000x1024xf32, #tpu.memory_space<hbm>>
    tpu.enqueue_indirect_dma source(%dma_start3A_50 : memref<100000x1024xf32, #tpu.memory_space<hbm>>) target(%dma_start3A_44 : memref<32x1024xf32, #tpu.memory_space<vmem>>) offsets(%dma_start3A_47 : memref<32xi32, #tpu.memory_space<vmem>>) semaphore(%arg7 : memref<!tpu.dma_semaphore, #tpu.memory_space<semaphore_mem>>)
    %dma_start3A_51 = arith.constant 0 : i32
    %dma_start3A_52 = arith.constant 1 : i32
    %dma_start3A_53 = arith.constant 0 : i32
    %dma_start3A_54 = arith.constant 0 : i32
    %dma_start3A_55 = tpu.memref_slice %arg6[%dma_start3A_52, %dma_start3A_53, %dma_start3A_54] : memref<3x32x1024xf32, #tpu.memory_space<vmem>> -> memref<1x32x1024xf32, #tpu.memory_space<vmem>>
    %dma_start3A_56 = tpu.memref_squeeze %dma_start3A_55 : memref<1x32x1024xf32, #tpu.memory_space<vmem>> -> memref<32x1024xf32, #tpu.memory_space<vmem>>
    %dma_start3A_57 = arith.constant 32 : i32
    %dma_start3A_58 = tpu.memref_slice %arg5[%dma_start3A_51, %dma_start3A_57] : memref<2x128xi32, #tpu.memory_space<vmem>> -> memref<1x32xi32, #tpu.memory_space<vmem>>
    %dma_start3A_59 = tpu.memref_squeeze %dma_start3A_58 : memref<1x32xi32, #tpu.memory_space<vmem>> -> memref<32xi32, #tpu.memory_space<vmem>>
    %dma_start3A_60 = arith.constant 0 : i32
    %dma_start3A_61 = arith.constant 0 : i32
    %dma_start3A_62 = tpu.memref_slice %arg3[%dma_start3A_60, %dma_start3A_61] : memref<100000x1024xf32, #tpu.memory_space<hbm>> -> memref<100000x1024xf32, #tpu.memory_space<hbm>>
    tpu.enqueue_indirect_dma source(%dma_start3A_62 : memref<100000x1024xf32, #tpu.memory_space<hbm>>) target(%dma_start3A_56 : memref<32x1024xf32, #tpu.memory_space<vmem>>) offsets(%dma_start3A_59 : memref<32xi32, #tpu.memory_space<vmem>>) semaphore(%arg8 : memref<!tpu.dma_semaphore, #tpu.memory_space<semaphore_mem>>)
    %dma_start3A_63 = arith.constant 0 : i32
    %dma_start3A_64 = arith.constant 2 : i32
    %dma_start3A_65 = arith.constant 0 : i32
    %dma_start3A_66 = arith.constant 0 : i32
    %dma_start3A_67 = tpu.memref_slice %arg6[%dma_start3A_64, %dma_start3A_65, %dma_start3A_66] : memref<3x32x1024xf32, #tpu.memory_space<vmem>> -> memref<1x32x1024xf32, #tpu.memory_space<vmem>>
    %dma_start3A_68 = tpu.memref_squeeze %dma_start3A_67 : memref<1x32x1024xf32, #tpu.memory_space<vmem>> -> memref<32x1024xf32, #tpu.memory_space<vmem>>
    %dma_start3A_69 = arith.constant 64 : i32
    %dma_start3A_70 = tpu.memref_slice %arg5[%dma_start3A_63, %dma_start3A_69] : memref<2x128xi32, #tpu.memory_space<vmem>> -> memref<1x32xi32, #tpu.memory_space<vmem>>
    %dma_start3A_71 = tpu.memref_squeeze %dma_start3A_70 : memref<1x32xi32, #tpu.memory_space<vmem>> -> memref<32xi32, #tpu.memory_space<vmem>>
    %dma_start3A_72 = arith.constant 0 : i32
    %dma_start3A_73 = arith.constant 0 : i32
    %dma_start3A_74 = tpu.memref_slice %arg3[%dma_start3A_72, %dma_start3A_73] : memref<100000x1024xf32, #tpu.memory_space<hbm>> -> memref<100000x1024xf32, #tpu.memory_space<hbm>>
    tpu.enqueue_indirect_dma source(%dma_start3A_74 : memref<100000x1024xf32, #tpu.memory_space<hbm>>) target(%dma_start3A_68 : memref<32x1024xf32, #tpu.memory_space<vmem>>) offsets(%dma_start3A_71 : memref<32xi32, #tpu.memory_space<vmem>>) semaphore(%arg9 : memref<!tpu.dma_semaphore, #tpu.memory_space<semaphore_mem>>)
    %dma_wait3A = arith.constant 0 : i32
    %dma_wait3A_75 = arith.constant 0 : i32
    %dma_wait3A_76 = arith.constant 0 : i32
    %dma_wait3A_77 = arith.constant 0 : i32
    %dma_wait3A_78 = tpu.memref_slice %arg6[%dma_wait3A_75, %dma_wait3A_76, %dma_wait3A_77] : memref<3x32x1024xf32, #tpu.memory_space<vmem>> -> memref<1x32x1024xf32, #tpu.memory_space<vmem>>
    %dma_wait3A_79 = tpu.memref_squeeze %dma_wait3A_78 : memref<1x32x1024xf32, #tpu.memory_space<vmem>> -> memref<32x1024xf32, #tpu.memory_space<vmem>>
    %dma_wait3A_80 = arith.constant 0 : i32
    %dma_wait3A_81 = tpu.memref_slice %arg5[%dma_wait3A, %dma_wait3A_80] : memref<2x128xi32, #tpu.memory_space<vmem>> -> memref<1x32xi32, #tpu.memory_space<vmem>>
    %dma_wait3A_82 = tpu.memref_squeeze %dma_wait3A_81 : memref<1x32xi32, #tpu.memory_space<vmem>> -> memref<32xi32, #tpu.memory_space<vmem>>
    %dma_wait3A_83 = arith.constant 0 : i32
    %dma_wait3A_84 = arith.constant 0 : i32
    %dma_wait3A_85 = tpu.memref_slice %arg3[%dma_wait3A_83, %dma_wait3A_84] : memref<100000x1024xf32, #tpu.memory_space<hbm>> -> memref<100000x1024xf32, #tpu.memory_space<hbm>>
    tpu.wait_indirect_dma semaphore(%arg7 : memref<!tpu.dma_semaphore, #tpu.memory_space<semaphore_mem>>) src(%dma_wait3A_85 : memref<100000x1024xf32, #tpu.memory_space<hbm>>) dst(%dma_wait3A_79 : memref<32x1024xf32, #tpu.memory_space<vmem>>)
    %add3A_86 = arith.constant 0 : i32
    %add3A_87 = arith.addi %add3A_37, %add3A_86 : i32
    %dma_start3A_88 = arith.constant 0 : i32
    %dma_start3A_89 = arith.constant 0 : i32
    %dma_start3A_90 = arith.constant 0 : i32
    %dma_start3A_91 = tpu.memref_slice %arg6[%dma_start3A_88, %dma_start3A_89, %dma_start3A_90] : memref<3x32x1024xf32, #tpu.memory_space<vmem>> -> memref<1x32x1024xf32, #tpu.memory_space<vmem>>
    %dma_start3A_92 = tpu.memref_squeeze %dma_start3A_91 : memref<1x32x1024xf32, #tpu.memory_space<vmem>> -> memref<32x1024xf32, #tpu.memory_space<vmem>>
    %dma_start3A_93 = arith.constant 0 : i32
    %dma_start3A_94 = tpu.memref_slice %arg4[%add3A_87, %dma_start3A_93] : memref<9216x1024xf32, #tpu.memory_space<hbm>> -> memref<32x1024xf32, #tpu.memory_space<hbm>>
    %dma_start3A_95 = arith.constant 0 : i32
    %dma_start3A_96 = tpu.memref_slice %arg4[%add3A_87, %dma_start3A_95] : memref<9216x1024xf32, #tpu.memory_space<hbm>> -> memref<32x1024xf32, #tpu.memory_space<hbm>>
    %dma_start3A_97 = arith.constant 0 : i32
    %dma_start3A_98 = arith.constant 0 : i32
    %dma_start3A_99 = tpu.memref_slice %arg6[%dma_start3A_88, %dma_start3A_97, %dma_start3A_98] : memref<3x32x1024xf32, #tpu.memory_space<vmem>> -> memref<1x32x1024xf32, #tpu.memory_space<vmem>>
    %dma_start3A_100 = tpu.memref_squeeze %dma_start3A_99 : memref<1x32x1024xf32, #tpu.memory_space<vmem>> -> memref<32x1024xf32, #tpu.memory_space<vmem>>
    tpu.enqueue_dma source(%dma_start3A_100 : memref<32x1024xf32, #tpu.memory_space<vmem>>) target(%dma_start3A_96 : memref<32x1024xf32, #tpu.memory_space<hbm>>) target_semaphore(%arg10 : memref<!tpu.dma_semaphore, #tpu.memory_space<semaphore_mem>>)
    %dma_wait3A_101 = arith.constant 0 : i32
    %dma_wait3A_102 = arith.constant 0 : i32
    %dma_wait3A_103 = arith.constant 0 : i32
    %dma_wait3A_104 = tpu.memref_slice %arg6[%dma_wait3A_101, %dma_wait3A_102, %dma_wait3A_103] : memref<3x32x1024xf32, #tpu.memory_space<vmem>> -> memref<1x32x1024xf32, #tpu.memory_space<vmem>>
    %dma_wait3A_105 = tpu.memref_squeeze %dma_wait3A_104 : memref<1x32x1024xf32, #tpu.memory_space<vmem>> -> memref<32x1024xf32, #tpu.memory_space<vmem>>
    %dma_wait3A_106 = arith.constant 0 : i32
    %dma_wait3A_107 = tpu.memref_slice %arg4[%add3A_87, %dma_wait3A_106] : memref<9216x1024xf32, #tpu.memory_space<hbm>> -> memref<32x1024xf32, #tpu.memory_space<hbm>>
    %dma_wait3A_108 = arith.constant 0 : i32
    %dma_wait3A_109 = tpu.memref_slice %arg4[%add3A_87, %dma_wait3A_108] : memref<9216x1024xf32, #tpu.memory_space<hbm>> -> memref<32x1024xf32, #tpu.memory_space<hbm>>
    %dma_wait3A_110 = arith.constant 0 : i32
    %dma_wait3A_111 = arith.constant 0 : i32
    %dma_wait3A_112 = tpu.memref_slice %arg6[%dma_wait3A_101, %dma_wait3A_110, %dma_wait3A_111] : memref<3x32x1024xf32, #tpu.memory_space<vmem>> -> memref<1x32x1024xf32, #tpu.memory_space<vmem>>
    %dma_wait3A_113 = tpu.memref_squeeze %dma_wait3A_112 : memref<1x32x1024xf32, #tpu.memory_space<vmem>> -> memref<32x1024xf32, #tpu.memory_space<vmem>>
    tpu.wait_dma2 semaphore(%arg10 : memref<!tpu.dma_semaphore, #tpu.memory_space<semaphore_mem>>) src(%dma_wait3A_113 : memref<32x1024xf32, #tpu.memory_space<vmem>>) dst(%dma_wait3A_109 : memref<32x1024xf32, #tpu.memory_space<hbm>>)
    %dma_start3A_114 = arith.constant 0 : i32
    %dma_start3A_115 = arith.constant 0 : i32
    %dma_start3A_116 = arith.constant 0 : i32
    %dma_start3A_117 = arith.constant 0 : i32
    %dma_start3A_118 = tpu.memref_slice %arg6[%dma_start3A_115, %dma_start3A_116, %dma_start3A_117] : memref<3x32x1024xf32, #tpu.memory_space<vmem>> -> memref<1x32x1024xf32, #tpu.memory_space<vmem>>
    %dma_start3A_119 = tpu.memref_squeeze %dma_start3A_118 : memref<1x32x1024xf32, #tpu.memory_space<vmem>> -> memref<32x1024xf32, #tpu.memory_space<vmem>>
    %dma_start3A_120 = arith.constant 96 : i32
    %dma_start3A_121 = tpu.memref_slice %arg5[%dma_start3A_114, %dma_start3A_120] : memref<2x128xi32, #tpu.memory_space<vmem>> -> memref<1x32xi32, #tpu.memory_space<vmem>>
    %dma_start3A_122 = tpu.memref_squeeze %dma_start3A_121 : memref<1x32xi32, #tpu.memory_space<vmem>> -> memref<32xi32, #tpu.memory_space<vmem>>
    %dma_start3A_123 = arith.constant 0 : i32
    %dma_start3A_124 = arith.constant 0 : i32
    %dma_start3A_125 = tpu.memref_slice %arg3[%dma_start3A_123, %dma_start3A_124] : memref<100000x1024xf32, #tpu.memory_space<hbm>> -> memref<100000x1024xf32, #tpu.memory_space<hbm>>
    tpu.enqueue_indirect_dma source(%dma_start3A_125 : memref<100000x1024xf32, #tpu.memory_space<hbm>>) target(%dma_start3A_119 : memref<32x1024xf32, #tpu.memory_space<vmem>>) offsets(%dma_start3A_122 : memref<32xi32, #tpu.memory_space<vmem>>) semaphore(%arg7 : memref<!tpu.dma_semaphore, #tpu.memory_space<semaphore_mem>>)
    %dma_wait3A_126 = arith.constant 0 : i32
    %dma_wait3A_127 = arith.constant 1 : i32
    %dma_wait3A_128 = arith.constant 0 : i32
    %dma_wait3A_129 = arith.constant 0 : i32
    %dma_wait3A_130 = tpu.memref_slice %arg6[%dma_wait3A_127, %dma_wait3A_128, %dma_wait3A_129] : memref<3x32x1024xf32, #tpu.memory_space<vmem>> -> memref<1x32x1024xf32, #tpu.memory_space<vmem>>
    %dma_wait3A_131 = tpu.memref_squeeze %dma_wait3A_130 : memref<1x32x1024xf32, #tpu.memory_space<vmem>> -> memref<32x1024xf32, #tpu.memory_space<vmem>>
    %dma_wait3A_132 = arith.constant 32 : i32
    %dma_wait3A_133 = tpu.memref_slice %arg5[%dma_wait3A_126, %dma_wait3A_132] : memref<2x128xi32, #tpu.memory_space<vmem>> -> memref<1x32xi32, #tpu.memory_space<vmem>>
    %dma_wait3A_134 = tpu.memref_squeeze %dma_wait3A_133 : memref<1x32xi32, #tpu.memory_space<vmem>> -> memref<32xi32, #tpu.memory_space<vmem>>
    %dma_wait3A_135 = arith.constant 0 : i32
    %dma_wait3A_136 = arith.constant 0 : i32
    %dma_wait3A_137 = tpu.memref_slice %arg3[%dma_wait3A_135, %dma_wait3A_136] : memref<100000x1024xf32, #tpu.memory_space<hbm>> -> memref<100000x1024xf32, #tpu.memory_space<hbm>>
    tpu.wait_indirect_dma semaphore(%arg8 : memref<!tpu.dma_semaphore, #tpu.memory_space<semaphore_mem>>) src(%dma_wait3A_137 : memref<100000x1024xf32, #tpu.memory_space<hbm>>) dst(%dma_wait3A_131 : memref<32x1024xf32, #tpu.memory_space<vmem>>)
    %add3A_138 = arith.constant 32 : i32
    %add3A_139 = arith.addi %add3A_37, %add3A_138 : i32
    %dma_start3A_140 = arith.constant 1 : i32
    %dma_start3A_141 = arith.constant 0 : i32
    %dma_start3A_142 = arith.constant 0 : i32
    %dma_start3A_143 = tpu.memref_slice %arg6[%dma_start3A_140, %dma_start3A_141, %dma_start3A_142] : memref<3x32x1024xf32, #tpu.memory_space<vmem>> -> memref<1x32x1024xf32, #tpu.memory_space<vmem>>
    %dma_start3A_144 = tpu.memref_squeeze %dma_start3A_143 : memref<1x32x1024xf32, #tpu.memory_space<vmem>> -> memref<32x1024xf32, #tpu.memory_space<vmem>>
    %dma_start3A_145 = arith.constant 0 : i32
    %dma_start3A_146 = tpu.memref_slice %arg4[%add3A_139, %dma_start3A_145] : memref<9216x1024xf32, #tpu.memory_space<hbm>> -> memref<32x1024xf32, #tpu.memory_space<hbm>>
    %dma_start3A_147 = arith.constant 0 : i32
    %dma_start3A_148 = tpu.memref_slice %arg4[%add3A_139, %dma_start3A_147] : memref<9216x1024xf32, #tpu.memory_space<hbm>> -> memref<32x1024xf32, #tpu.memory_space<hbm>>
    %dma_start3A_149 = arith.constant 0 : i32
    %dma_start3A_150 = arith.constant 0 : i32
    %dma_start3A_151 = tpu.memref_slice %arg6[%dma_start3A_140, %dma_start3A_149, %dma_start3A_150] : memref<3x32x1024xf32, #tpu.memory_space<vmem>> -> memref<1x32x1024xf32, #tpu.memory_space<vmem>>
    %dma_start3A_152 = tpu.memref_squeeze %dma_start3A_151 : memref<1x32x1024xf32, #tpu.memory_space<vmem>> -> memref<32x1024xf32, #tpu.memory_space<vmem>>
    tpu.enqueue_dma source(%dma_start3A_152 : memref<32x1024xf32, #tpu.memory_space<vmem>>) target(%dma_start3A_148 : memref<32x1024xf32, #tpu.memory_space<hbm>>) target_semaphore(%arg11 : memref<!tpu.dma_semaphore, #tpu.memory_space<semaphore_mem>>)
    %dma_wait3A_153 = arith.constant 1 : i32
    %dma_wait3A_154 = arith.constant 0 : i32
    %dma_wait3A_155 = arith.constant 0 : i32
    %dma_wait3A_156 = tpu.memref_slice %arg6[%dma_wait3A_153, %dma_wait3A_154, %dma_wait3A_155] : memref<3x32x1024xf32, #tpu.memory_space<vmem>> -> memref<1x32x1024xf32, #tpu.memory_space<vmem>>
    %dma_wait3A_157 = tpu.memref_squeeze %dma_wait3A_156 : memref<1x32x1024xf32, #tpu.memory_space<vmem>> -> memref<32x1024xf32, #tpu.memory_space<vmem>>
    %dma_wait3A_158 = arith.constant 0 : i32
    %dma_wait3A_159 = tpu.memref_slice %arg4[%add3A_139, %dma_wait3A_158] : memref<9216x1024xf32, #tpu.memory_space<hbm>> -> memref<32x1024xf32, #tpu.memory_space<hbm>>
    %dma_wait3A_160 = arith.constant 0 : i32
    %dma_wait3A_161 = tpu.memref_slice %arg4[%add3A_139, %dma_wait3A_160] : memref<9216x1024xf32, #tpu.memory_space<hbm>> -> memref<32x1024xf32, #tpu.memory_space<hbm>>
    %dma_wait3A_162 = arith.constant 0 : i32
    %dma_wait3A_163 = arith.constant 0 : i32
    %dma_wait3A_164 = tpu.memref_slice %arg6[%dma_wait3A_153, %dma_wait3A_162, %dma_wait3A_163] : memref<3x32x1024xf32, #tpu.memory_space<vmem>> -> memref<1x32x1024xf32, #tpu.memory_space<vmem>>
    %dma_wait3A_165 = tpu.memref_squeeze %dma_wait3A_164 : memref<1x32x1024xf32, #tpu.memory_space<vmem>> -> memref<32x1024xf32, #tpu.memory_space<vmem>>
    tpu.wait_dma2 semaphore(%arg11 : memref<!tpu.dma_semaphore, #tpu.memory_space<semaphore_mem>>) src(%dma_wait3A_165 : memref<32x1024xf32, #tpu.memory_space<vmem>>) dst(%dma_wait3A_161 : memref<32x1024xf32, #tpu.memory_space<hbm>>)
    %dma_start3A_166 = arith.constant 1 : i32
    %dma_start3A_167 = arith.constant 1 : i32
    %dma_start3A_168 = arith.constant 0 : i32
    %dma_start3A_169 = arith.constant 0 : i32
    %dma_start3A_170 = tpu.memref_slice %arg6[%dma_start3A_167, %dma_start3A_168, %dma_start3A_169] : memref<3x32x1024xf32, #tpu.memory_space<vmem>> -> memref<1x32x1024xf32, #tpu.memory_space<vmem>>
    %dma_start3A_171 = tpu.memref_squeeze %dma_start3A_170 : memref<1x32x1024xf32, #tpu.memory_space<vmem>> -> memref<32x1024xf32, #tpu.memory_space<vmem>>
    %dma_start3A_172 = arith.constant 0 : i32
    %dma_start3A_173 = tpu.memref_slice %arg5[%dma_start3A_166, %dma_start3A_172] : memref<2x128xi32, #tpu.memory_space<vmem>> -> memref<1x32xi32, #tpu.memory_space<vmem>>
    %dma_start3A_174 = tpu.memref_squeeze %dma_start3A_173 : memref<1x32xi32, #tpu.memory_space<vmem>> -> memref<32xi32, #tpu.memory_space<vmem>>
    %dma_start3A_175 = arith.constant 0 : i32
    %dma_start3A_176 = arith.constant 0 : i32
    %dma_start3A_177 = tpu.memref_slice %arg3[%dma_start3A_175, %dma_start3A_176] : memref<100000x1024xf32, #tpu.memory_space<hbm>> -> memref<100000x1024xf32, #tpu.memory_space<hbm>>
    tpu.enqueue_indirect_dma source(%dma_start3A_177 : memref<100000x1024xf32, #tpu.memory_space<hbm>>) target(%dma_start3A_171 : memref<32x1024xf32, #tpu.memory_space<vmem>>) offsets(%dma_start3A_174 : memref<32xi32, #tpu.memory_space<vmem>>) semaphore(%arg8 : memref<!tpu.dma_semaphore, #tpu.memory_space<semaphore_mem>>)
    %dma_wait3A_178 = arith.constant 0 : i32
    %dma_wait3A_179 = arith.constant 2 : i32
    %dma_wait3A_180 = arith.constant 0 : i32
    %dma_wait3A_181 = arith.constant 0 : i32
    %dma_wait3A_182 = tpu.memref_slice %arg6[%dma_wait3A_179, %dma_wait3A_180, %dma_wait3A_181] : memref<3x32x1024xf32, #tpu.memory_space<vmem>> -> memref<1x32x1024xf32, #tpu.memory_space<vmem>>
    %dma_wait3A_183 = tpu.memref_squeeze %dma_wait3A_182 : memref<1x32x1024xf32, #tpu.memory_space<vmem>> -> memref<32x1024xf32, #tpu.memory_space<vmem>>
    %dma_wait3A_184 = arith.constant 64 : i32
    %dma_wait3A_185 = tpu.memref_slice %arg5[%dma_wait3A_178, %dma_wait3A_184] : memref<2x128xi32, #tpu.memory_space<vmem>> -> memref<1x32xi32, #tpu.memory_space<vmem>>
    %dma_wait3A_186 = tpu.memref_squeeze %dma_wait3A_185 : memref<1x32xi32, #tpu.memory_space<vmem>> -> memref<32xi32, #tpu.memory_space<vmem>>
    %dma_wait3A_187 = arith.constant 0 : i32
    %dma_wait3A_188 = arith.constant 0 : i32
    %dma_wait3A_189 = tpu.memref_slice %arg3[%dma_wait3A_187, %dma_wait3A_188] : memref<100000x1024xf32, #tpu.memory_space<hbm>> -> memref<100000x1024xf32, #tpu.memory_space<hbm>>
    tpu.wait_indirect_dma semaphore(%arg9 : memref<!tpu.dma_semaphore, #tpu.memory_space<semaphore_mem>>) src(%dma_wait3A_189 : memref<100000x1024xf32, #tpu.memory_space<hbm>>) dst(%dma_wait3A_183 : memref<32x1024xf32, #tpu.memory_space<vmem>>)
    %add3A_190 = arith.constant 64 : i32
    %add3A_191 = arith.addi %add3A_37, %add3A_190 : i32
    %dma_start3A_192 = arith.constant 2 : i32
    %dma_start3A_193 = arith.constant 0 : i32
    %dma_start3A_194 = arith.constant 0 : i32
    %dma_start3A_195 = tpu.memref_slice %arg6[%dma_start3A_192, %dma_start3A_193, %dma_start3A_194] : memref<3x32x1024xf32, #tpu.memory_space<vmem>> -> memref<1x32x1024xf32, #tpu.memory_space<vmem>>
    %dma_start3A_196 = tpu.memref_squeeze %dma_start3A_195 : memref<1x32x1024xf32, #tpu.memory_space<vmem>> -> memref<32x1024xf32, #tpu.memory_space<vmem>>
    %dma_start3A_197 = arith.constant 0 : i32
    %dma_start3A_198 = tpu.memref_slice %arg4[%add3A_191, %dma_start3A_197] : memref<9216x1024xf32, #tpu.memory_space<hbm>> -> memref<32x1024xf32, #tpu.memory_space<hbm>>
    %dma_start3A_199 = arith.constant 0 : i32
    %dma_start3A_200 = tpu.memref_slice %arg4[%add3A_191, %dma_start3A_199] : memref<9216x1024xf32, #tpu.memory_space<hbm>> -> memref<32x1024xf32, #tpu.memory_space<hbm>>
    %dma_start3A_201 = arith.constant 0 : i32
    %dma_start3A_202 = arith.constant 0 : i32
    %dma_start3A_203 = tpu.memref_slice %arg6[%dma_start3A_192, %dma_start3A_201, %dma_start3A_202] : memref<3x32x1024xf32, #tpu.memory_space<vmem>> -> memref<1x32x1024xf32, #tpu.memory_space<vmem>>
    %dma_start3A_204 = tpu.memref_squeeze %dma_start3A_203 : memref<1x32x1024xf32, #tpu.memory_space<vmem>> -> memref<32x1024xf32, #tpu.memory_space<vmem>>
    tpu.enqueue_dma source(%dma_start3A_204 : memref<32x1024xf32, #tpu.memory_space<vmem>>) target(%dma_start3A_200 : memref<32x1024xf32, #tpu.memory_space<hbm>>) target_semaphore(%arg12 : memref<!tpu.dma_semaphore, #tpu.memory_space<semaphore_mem>>)
    %dma_wait3A_205 = arith.constant 2 : i32
    %dma_wait3A_206 = arith.constant 0 : i32
    %dma_wait3A_207 = arith.constant 0 : i32
    %dma_wait3A_208 = tpu.memref_slice %arg6[%dma_wait3A_205, %dma_wait3A_206, %dma_wait3A_207] : memref<3x32x1024xf32, #tpu.memory_space<vmem>> -> memref<1x32x1024xf32, #tpu.memory_space<vmem>>
    %dma_wait3A_209 = tpu.memref_squeeze %dma_wait3A_208 : memref<1x32x1024xf32, #tpu.memory_space<vmem>> -> memref<32x1024xf32, #tpu.memory_space<vmem>>
    %dma_wait3A_210 = arith.constant 0 : i32
    %dma_wait3A_211 = tpu.memref_slice %arg4[%add3A_191, %dma_wait3A_210] : memref<9216x1024xf32, #tpu.memory_space<hbm>> -> memref<32x1024xf32, #tpu.memory_space<hbm>>
    %dma_wait3A_212 = arith.constant 0 : i32
    %dma_wait3A_213 = tpu.memref_slice %arg4[%add3A_191, %dma_wait3A_212] : memref<9216x1024xf32, #tpu.memory_space<hbm>> -> memref<32x1024xf32, #tpu.memory_space<hbm>>
    %dma_wait3A_214 = arith.constant 0 : i32
    %dma_wait3A_215 = arith.constant 0 : i32
    %dma_wait3A_216 = tpu.memref_slice %arg6[%dma_wait3A_205, %dma_wait3A_214, %dma_wait3A_215] : memref<3x32x1024xf32, #tpu.memory_space<vmem>> -> memref<1x32x1024xf32, #tpu.memory_space<vmem>>
    %dma_wait3A_217 = tpu.memref_squeeze %dma_wait3A_216 : memref<1x32x1024xf32, #tpu.memory_space<vmem>> -> memref<32x1024xf32, #tpu.memory_space<vmem>>
    tpu.wait_dma2 semaphore(%arg12 : memref<!tpu.dma_semaphore, #tpu.memory_space<semaphore_mem>>) src(%dma_wait3A_217 : memref<32x1024xf32, #tpu.memory_space<vmem>>) dst(%dma_wait3A_213 : memref<32x1024xf32, #tpu.memory_space<hbm>>)
    %dma_start3A_218 = arith.constant 1 : i32
    %dma_start3A_219 = arith.constant 2 : i32
    %dma_start3A_220 = arith.constant 0 : i32
    %dma_start3A_221 = arith.constant 0 : i32
    %dma_start3A_222 = tpu.memref_slice %arg6[%dma_start3A_219, %dma_start3A_220, %dma_start3A_221] : memref<3x32x1024xf32, #tpu.memory_space<vmem>> -> memref<1x32x1024xf32, #tpu.memory_space<vmem>>
    %dma_start3A_223 = tpu.memref_squeeze %dma_start3A_222 : memref<1x32x1024xf32, #tpu.memory_space<vmem>> -> memref<32x1024xf32, #tpu.memory_space<vmem>>
    %dma_start3A_224 = arith.constant 32 : i32
    %dma_start3A_225 = tpu.memref_slice %arg5[%dma_start3A_218, %dma_start3A_224] : memref<2x128xi32, #tpu.memory_space<vmem>> -> memref<1x32xi32, #tpu.memory_space<vmem>>
    %dma_start3A_226 = tpu.memref_squeeze %dma_start3A_225 : memref<1x32xi32, #tpu.memory_space<vmem>> -> memref<32xi32, #tpu.memory_space<vmem>>
    %dma_start3A_227 = arith.constant 0 : i32
    %dma_start3A_228 = arith.constant 0 : i32
    %dma_start3A_229 = tpu.memref_slice %arg3[%dma_start3A_227, %dma_start3A_228] : memref<100000x1024xf32, #tpu.memory_space<hbm>> -> memref<100000x1024xf32, #tpu.memory_space<hbm>>
    tpu.enqueue_indirect_dma source(%dma_start3A_229 : memref<100000x1024xf32, #tpu.memory_space<hbm>>) target(%dma_start3A_223 : memref<32x1024xf32, #tpu.memory_space<vmem>>) offsets(%dma_start3A_226 : memref<32xi32, #tpu.memory_space<vmem>>) semaphore(%arg9 : memref<!tpu.dma_semaphore, #tpu.memory_space<semaphore_mem>>)
    %dma_wait3A_230 = arith.constant 0 : i32
    %dma_wait3A_231 = arith.constant 0 : i32
    %dma_wait3A_232 = arith.constant 0 : i32
    %dma_wait3A_233 = arith.constant 0 : i32
    %dma_wait3A_234 = tpu.memref_slice %arg6[%dma_wait3A_231, %dma_wait3A_232, %dma_wait3A_233] : memref<3x32x1024xf32, #tpu.memory_space<vmem>> -> memref<1x32x1024xf32, #tpu.memory_space<vmem>>
    %dma_wait3A_235 = tpu.memref_squeeze %dma_wait3A_234 : memref<1x32x1024xf32, #tpu.memory_space<vmem>> -> memref<32x1024xf32, #tpu.memory_space<vmem>>
    %dma_wait3A_236 = arith.constant 96 : i32
    %dma_wait3A_237 = tpu.memref_slice %arg5[%dma_wait3A_230, %dma_wait3A_236] : memref<2x128xi32, #tpu.memory_space<vmem>> -> memref<1x32xi32, #tpu.memory_space<vmem>>
    %dma_wait3A_238 = tpu.memref_squeeze %dma_wait3A_237 : memref<1x32xi32, #tpu.memory_space<vmem>> -> memref<32xi32, #tpu.memory_space<vmem>>
    %dma_wait3A_239 = arith.constant 0 : i32
    %dma_wait3A_240 = arith.constant 0 : i32
    %dma_wait3A_241 = tpu.memref_slice %arg3[%dma_wait3A_239, %dma_wait3A_240] : memref<100000x1024xf32, #tpu.memory_space<hbm>> -> memref<100000x1024xf32, #tpu.memory_space<hbm>>
    tpu.wait_indirect_dma semaphore(%arg7 : memref<!tpu.dma_semaphore, #tpu.memory_space<semaphore_mem>>) src(%dma_wait3A_241 : memref<100000x1024xf32, #tpu.memory_space<hbm>>) dst(%dma_wait3A_235 : memref<32x1024xf32, #tpu.memory_space<vmem>>)
    %add3A_242 = arith.constant 96 : i32
    %add3A_243 = arith.addi %add3A_37, %add3A_242 : i32
    %dma_start3A_244 = arith.constant 0 : i32
    %dma_start3A_245 = arith.constant 0 : i32
    %dma_start3A_246 = arith.constant 0 : i32
    %dma_start3A_247 = tpu.memref_slice %arg6[%dma_start3A_244, %dma_start3A_245, %dma_start3A_246] : memref<3x32x1024xf32, #tpu.memory_space<vmem>> -> memref<1x32x1024xf32, #tpu.memory_space<vmem>>
    %dma_start3A_248 = tpu.memref_squeeze %dma_start3A_247 : memref<1x32x1024xf32, #tpu.memory_space<vmem>> -> memref<32x1024xf32, #tpu.memory_space<vmem>>
    %dma_start3A_249 = arith.constant 0 : i32
    %dma_start3A_250 = tpu.memref_slice %arg4[%add3A_243, %dma_start3A_249] : memref<9216x1024xf32, #tpu.memory_space<hbm>> -> memref<32x1024xf32, #tpu.memory_space<hbm>>
    %dma_start3A_251 = arith.constant 0 : i32
    %dma_start3A_252 = tpu.memref_slice %arg4[%add3A_243, %dma_start3A_251] : memref<9216x1024xf32, #tpu.memory_space<hbm>> -> memref<32x1024xf32, #tpu.memory_space<hbm>>
    %dma_start3A_253 = arith.constant 0 : i32
    %dma_start3A_254 = arith.constant 0 : i32
    %dma_start3A_255 = tpu.memref_slice %arg6[%dma_start3A_244, %dma_start3A_253, %dma_start3A_254] : memref<3x32x1024xf32, #tpu.memory_space<vmem>> -> memref<1x32x1024xf32, #tpu.memory_space<vmem>>
    %dma_start3A_256 = tpu.memref_squeeze %dma_start3A_255 : memref<1x32x1024xf32, #tpu.memory_space<vmem>> -> memref<32x1024xf32, #tpu.memory_space<vmem>>
    tpu.enqueue_dma source(%dma_start3A_256 : memref<32x1024xf32, #tpu.memory_space<vmem>>) target(%dma_start3A_252 : memref<32x1024xf32, #tpu.memory_space<hbm>>) target_semaphore(%arg10 : memref<!tpu.dma_semaphore, #tpu.memory_space<semaphore_mem>>)
    %dma_wait3A_257 = arith.constant 0 : i32
    %dma_wait3A_258 = arith.constant 0 : i32
    %dma_wait3A_259 = arith.constant 0 : i32
    %dma_wait3A_260 = tpu.memref_slice %arg6[%dma_wait3A_257, %dma_wait3A_258, %dma_wait3A_259] : memref<3x32x1024xf32, #tpu.memory_space<vmem>> -> memref<1x32x1024xf32, #tpu.memory_space<vmem>>
    %dma_wait3A_261 = tpu.memref_squeeze %dma_wait3A_260 : memref<1x32x1024xf32, #tpu.memory_space<vmem>> -> memref<32x1024xf32, #tpu.memory_space<vmem>>
    %dma_wait3A_262 = arith.constant 0 : i32
    %dma_wait3A_263 = tpu.memref_slice %arg4[%add3A_243, %dma_wait3A_262] : memref<9216x1024xf32, #tpu.memory_space<hbm>> -> memref<32x1024xf32, #tpu.memory_space<hbm>>
    %dma_wait3A_264 = arith.constant 0 : i32
    %dma_wait3A_265 = tpu.memref_slice %arg4[%add3A_243, %dma_wait3A_264] : memref<9216x1024xf32, #tpu.memory_space<hbm>> -> memref<32x1024xf32, #tpu.memory_space<hbm>>
    %dma_wait3A_266 = arith.constant 0 : i32
    %dma_wait3A_267 = arith.constant 0 : i32
    %dma_wait3A_268 = tpu.memref_slice %arg6[%dma_wait3A_257, %dma_wait3A_266, %dma_wait3A_267] : memref<3x32x1024xf32, #tpu.memory_space<vmem>> -> memref<1x32x1024xf32, #tpu.memory_space<vmem>>
    %dma_wait3A_269 = tpu.memref_squeeze %dma_wait3A_268 : memref<1x32x1024xf32, #tpu.memory_space<vmem>> -> memref<32x1024xf32, #tpu.memory_space<vmem>>
    tpu.wait_dma2 semaphore(%arg10 : memref<!tpu.dma_semaphore, #tpu.memory_space<semaphore_mem>>) src(%dma_wait3A_269 : memref<32x1024xf32, #tpu.memory_space<vmem>>) dst(%dma_wait3A_265 : memref<32x1024xf32, #tpu.memory_space<hbm>>)
    %dma_start3A_270 = arith.constant 1 : i32
    %dma_start3A_271 = arith.constant 0 : i32
    %dma_start3A_272 = arith.constant 0 : i32
    %dma_start3A_273 = arith.constant 0 : i32
    %dma_start3A_274 = tpu.memref_slice %arg6[%dma_start3A_271, %dma_start3A_272, %dma_start3A_273] : memref<3x32x1024xf32, #tpu.memory_space<vmem>> -> memref<1x32x1024xf32, #tpu.memory_space<vmem>>
    %dma_start3A_275 = tpu.memref_squeeze %dma_start3A_274 : memref<1x32x1024xf32, #tpu.memory_space<vmem>> -> memref<32x1024xf32, #tpu.memory_space<vmem>>
    %dma_start3A_276 = arith.constant 64 : i32
    %dma_start3A_277 = tpu.memref_slice %arg5[%dma_start3A_270, %dma_start3A_276] : memref<2x128xi32, #tpu.memory_space<vmem>> -> memref<1x32xi32, #tpu.memory_space<vmem>>
    %dma_start3A_278 = tpu.memref_squeeze %dma_start3A_277 : memref<1x32xi32, #tpu.memory_space<vmem>> -> memref<32xi32, #tpu.memory_space<vmem>>
    %dma_start3A_279 = arith.constant 0 : i32
    %dma_start3A_280 = arith.constant 0 : i32
    %dma_start3A_281 = tpu.memref_slice %arg3[%dma_start3A_279, %dma_start3A_280] : memref<100000x1024xf32, #tpu.memory_space<hbm>> -> memref<100000x1024xf32, #tpu.memory_space<hbm>>
    tpu.enqueue_indirect_dma source(%dma_start3A_281 : memref<100000x1024xf32, #tpu.memory_space<hbm>>) target(%dma_start3A_275 : memref<32x1024xf32, #tpu.memory_space<vmem>>) offsets(%dma_start3A_278 : memref<32xi32, #tpu.memory_space<vmem>>) semaphore(%arg7 : memref<!tpu.dma_semaphore, #tpu.memory_space<semaphore_mem>>)
    %dma_wait3A_282 = arith.constant 1 : i32
    %dma_wait3A_283 = arith.constant 1 : i32
    %dma_wait3A_284 = arith.constant 0 : i32
    %dma_wait3A_285 = arith.constant 0 : i32
    %dma_wait3A_286 = tpu.memref_slice %arg6[%dma_wait3A_283, %dma_wait3A_284, %dma_wait3A_285] : memref<3x32x1024xf32, #tpu.memory_space<vmem>> -> memref<1x32x1024xf32, #tpu.memory_space<vmem>>
    %dma_wait3A_287 = tpu.memref_squeeze %dma_wait3A_286 : memref<1x32x1024xf32, #tpu.memory_space<vmem>> -> memref<32x1024xf32, #tpu.memory_space<vmem>>
    %dma_wait3A_288 = arith.constant 0 : i32
    %dma_wait3A_289 = tpu.memref_slice %arg5[%dma_wait3A_282, %dma_wait3A_288] : memref<2x128xi32, #tpu.memory_space<vmem>> -> memref<1x32xi32, #tpu.memory_space<vmem>>
    %dma_wait3A_290 = tpu.memref_squeeze %dma_wait3A_289 : memref<1x32xi32, #tpu.memory_space<vmem>> -> memref<32xi32, #tpu.memory_space<vmem>>
    %dma_wait3A_291 = arith.constant 0 : i32
    %dma_wait3A_292 = arith.constant 0 : i32
    %dma_wait3A_293 = tpu.memref_slice %arg3[%dma_wait3A_291, %dma_wait3A_292] : memref<100000x1024xf32, #tpu.memory_space<hbm>> -> memref<100000x1024xf32, #tpu.memory_space<hbm>>
    tpu.wait_indirect_dma semaphore(%arg8 : memref<!tpu.dma_semaphore, #tpu.memory_space<semaphore_mem>>) src(%dma_wait3A_293 : memref<100000x1024xf32, #tpu.memory_space<hbm>>) dst(%dma_wait3A_287 : memref<32x1024xf32, #tpu.memory_space<vmem>>)
    %add3A_294 = arith.constant 128 : i32
    %add3A_295 = arith.addi %add3A_37, %add3A_294 : i32
    %dma_start3A_296 = arith.constant 1 : i32
    %dma_start3A_297 = arith.constant 0 : i32
    %dma_start3A_298 = arith.constant 0 : i32
    %dma_start3A_299 = tpu.memref_slice %arg6[%dma_start3A_296, %dma_start3A_297, %dma_start3A_298] : memref<3x32x1024xf32, #tpu.memory_space<vmem>> -> memref<1x32x1024xf32, #tpu.memory_space<vmem>>
    %dma_start3A_300 = tpu.memref_squeeze %dma_start3A_299 : memref<1x32x1024xf32, #tpu.memory_space<vmem>> -> memref<32x1024xf32, #tpu.memory_space<vmem>>
    %dma_start3A_301 = arith.constant 0 : i32
    %dma_start3A_302 = tpu.memref_slice %arg4[%add3A_295, %dma_start3A_301] : memref<9216x1024xf32, #tpu.memory_space<hbm>> -> memref<32x1024xf32, #tpu.memory_space<hbm>>
    %dma_start3A_303 = arith.constant 0 : i32
    %dma_start3A_304 = tpu.memref_slice %arg4[%add3A_295, %dma_start3A_303] : memref<9216x1024xf32, #tpu.memory_space<hbm>> -> memref<32x1024xf32, #tpu.memory_space<hbm>>
    %dma_start3A_305 = arith.constant 0 : i32
    %dma_start3A_306 = arith.constant 0 : i32
    %dma_start3A_307 = tpu.memref_slice %arg6[%dma_start3A_296, %dma_start3A_305, %dma_start3A_306] : memref<3x32x1024xf32, #tpu.memory_space<vmem>> -> memref<1x32x1024xf32, #tpu.memory_space<vmem>>
    %dma_start3A_308 = tpu.memref_squeeze %dma_start3A_307 : memref<1x32x1024xf32, #tpu.memory_space<vmem>> -> memref<32x1024xf32, #tpu.memory_space<vmem>>
    tpu.enqueue_dma source(%dma_start3A_308 : memref<32x1024xf32, #tpu.memory_space<vmem>>) target(%dma_start3A_304 : memref<32x1024xf32, #tpu.memory_space<hbm>>) target_semaphore(%arg11 : memref<!tpu.dma_semaphore, #tpu.memory_space<semaphore_mem>>)
    %dma_wait3A_309 = arith.constant 1 : i32
    %dma_wait3A_310 = arith.constant 0 : i32
    %dma_wait3A_311 = arith.constant 0 : i32
    %dma_wait3A_312 = tpu.memref_slice %arg6[%dma_wait3A_309, %dma_wait3A_310, %dma_wait3A_311] : memref<3x32x1024xf32, #tpu.memory_space<vmem>> -> memref<1x32x1024xf32, #tpu.memory_space<vmem>>
    %dma_wait3A_313 = tpu.memref_squeeze %dma_wait3A_312 : memref<1x32x1024xf32, #tpu.memory_space<vmem>> -> memref<32x1024xf32, #tpu.memory_space<vmem>>
    %dma_wait3A_314 = arith.constant 0 : i32
    %dma_wait3A_315 = tpu.memref_slice %arg4[%add3A_295, %dma_wait3A_314] : memref<9216x1024xf32, #tpu.memory_space<hbm>> -> memref<32x1024xf32, #tpu.memory_space<hbm>>
    %dma_wait3A_316 = arith.constant 0 : i32
    %dma_wait3A_317 = tpu.memref_slice %arg4[%add3A_295, %dma_wait3A_316] : memref<9216x1024xf32, #tpu.memory_space<hbm>> -> memref<32x1024xf32, #tpu.memory_space<hbm>>
    %dma_wait3A_318 = arith.constant 0 : i32
    %dma_wait3A_319 = arith.constant 0 : i32
    %dma_wait3A_320 = tpu.memref_slice %arg6[%dma_wait3A_309, %dma_wait3A_318, %dma_wait3A_319] : memref<3x32x1024xf32, #tpu.memory_space<vmem>> -> memref<1x32x1024xf32, #tpu.memory_space<vmem>>
    %dma_wait3A_321 = tpu.memref_squeeze %dma_wait3A_320 : memref<1x32x1024xf32, #tpu.memory_space<vmem>> -> memref<32x1024xf32, #tpu.memory_space<vmem>>
    tpu.wait_dma2 semaphore(%arg11 : memref<!tpu.dma_semaphore, #tpu.memory_space<semaphore_mem>>) src(%dma_wait3A_321 : memref<32x1024xf32, #tpu.memory_space<vmem>>) dst(%dma_wait3A_317 : memref<32x1024xf32, #tpu.memory_space<hbm>>)
    %dma_start3A_322 = arith.constant 1 : i32
    %dma_start3A_323 = arith.constant 1 : i32
    %dma_start3A_324 = arith.constant 0 : i32
    %dma_start3A_325 = arith.constant 0 : i32
    %dma_start3A_326 = tpu.memref_slice %arg6[%dma_start3A_323, %dma_start3A_324, %dma_start3A_325] : memref<3x32x1024xf32, #tpu.memory_space<vmem>> -> memref<1x32x1024xf32, #tpu.memory_space<vmem>>
    %dma_start3A_327 = tpu.memref_squeeze %dma_start3A_326 : memref<1x32x1024xf32, #tpu.memory_space<vmem>> -> memref<32x1024xf32, #tpu.memory_space<vmem>>
    %dma_start3A_328 = arith.constant 96 : i32
    %dma_start3A_329 = tpu.memref_slice %arg5[%dma_start3A_322, %dma_start3A_328] : memref<2x128xi32, #tpu.memory_space<vmem>> -> memref<1x32xi32, #tpu.memory_space<vmem>>
    %dma_start3A_330 = tpu.memref_squeeze %dma_start3A_329 : memref<1x32xi32, #tpu.memory_space<vmem>> -> memref<32xi32, #tpu.memory_space<vmem>>
    %dma_start3A_331 = arith.constant 0 : i32
    %dma_start3A_332 = arith.constant 0 : i32
    %dma_start3A_333 = tpu.memref_slice %arg3[%dma_start3A_331, %dma_start3A_332] : memref<100000x1024xf32, #tpu.memory_space<hbm>> -> memref<100000x1024xf32, #tpu.memory_space<hbm>>
    tpu.enqueue_indirect_dma source(%dma_start3A_333 : memref<100000x1024xf32, #tpu.memory_space<hbm>>) target(%dma_start3A_327 : memref<32x1024xf32, #tpu.memory_space<vmem>>) offsets(%dma_start3A_330 : memref<32xi32, #tpu.memory_space<vmem>>) semaphore(%arg8 : memref<!tpu.dma_semaphore, #tpu.memory_space<semaphore_mem>>)
    %dma_wait3A_334 = arith.constant 1 : i32
    %dma_wait3A_335 = arith.constant 2 : i32
    %dma_wait3A_336 = arith.constant 0 : i32
    %dma_wait3A_337 = arith.constant 0 : i32
    %dma_wait3A_338 = tpu.memref_slice %arg6[%dma_wait3A_335, %dma_wait3A_336, %dma_wait3A_337] : memref<3x32x1024xf32, #tpu.memory_space<vmem>> -> memref<1x32x1024xf32, #tpu.memory_space<vmem>>
    %dma_wait3A_339 = tpu.memref_squeeze %dma_wait3A_338 : memref<1x32x1024xf32, #tpu.memory_space<vmem>> -> memref<32x1024xf32, #tpu.memory_space<vmem>>
    %dma_wait3A_340 = arith.constant 32 : i32
    %dma_wait3A_341 = tpu.memref_slice %arg5[%dma_wait3A_334, %dma_wait3A_340] : memref<2x128xi32, #tpu.memory_space<vmem>> -> memref<1x32xi32, #tpu.memory_space<vmem>>
    %dma_wait3A_342 = tpu.memref_squeeze %dma_wait3A_341 : memref<1x32xi32, #tpu.memory_space<vmem>> -> memref<32xi32, #tpu.memory_space<vmem>>
    %dma_wait3A_343 = arith.constant 0 : i32
    %dma_wait3A_344 = arith.constant 0 : i32
    %dma_wait3A_345 = tpu.memref_slice %arg3[%dma_wait3A_343, %dma_wait3A_344] : memref<100000x1024xf32, #tpu.memory_space<hbm>> -> memref<100000x1024xf32, #tpu.memory_space<hbm>>
    tpu.wait_indirect_dma semaphore(%arg9 : memref<!tpu.dma_semaphore, #tpu.memory_space<semaphore_mem>>) src(%dma_wait3A_345 : memref<100000x1024xf32, #tpu.memory_space<hbm>>) dst(%dma_wait3A_339 : memref<32x1024xf32, #tpu.memory_space<vmem>>)
    %add3A_346 = arith.constant 160 : i32
    %add3A_347 = arith.addi %add3A_37, %add3A_346 : i32
    %dma_start3A_348 = arith.constant 2 : i32
    %dma_start3A_349 = arith.constant 0 : i32
    %dma_start3A_350 = arith.constant 0 : i32
    %dma_start3A_351 = tpu.memref_slice %arg6[%dma_start3A_348, %dma_start3A_349, %dma_start3A_350] : memref<3x32x1024xf32, #tpu.memory_space<vmem>> -> memref<1x32x1024xf32, #tpu.memory_space<vmem>>
    %dma_start3A_352 = tpu.memref_squeeze %dma_start3A_351 : memref<1x32x1024xf32, #tpu.memory_space<vmem>> -> memref<32x1024xf32, #tpu.memory_space<vmem>>
    %dma_start3A_353 = arith.constant 0 : i32
    %dma_start3A_354 = tpu.memref_slice %arg4[%add3A_347, %dma_start3A_353] : memref<9216x1024xf32, #tpu.memory_space<hbm>> -> memref<32x1024xf32, #tpu.memory_space<hbm>>
    %dma_start3A_355 = arith.constant 0 : i32
    %dma_start3A_356 = tpu.memref_slice %arg4[%add3A_347, %dma_start3A_355] : memref<9216x1024xf32, #tpu.memory_space<hbm>> -> memref<32x1024xf32, #tpu.memory_space<hbm>>
    %dma_start3A_357 = arith.constant 0 : i32
    %dma_start3A_358 = arith.constant 0 : i32
    %dma_start3A_359 = tpu.memref_slice %arg6[%dma_start3A_348, %dma_start3A_357, %dma_start3A_358] : memref<3x32x1024xf32, #tpu.memory_space<vmem>> -> memref<1x32x1024xf32, #tpu.memory_space<vmem>>
    %dma_start3A_360 = tpu.memref_squeeze %dma_start3A_359 : memref<1x32x1024xf32, #tpu.memory_space<vmem>> -> memref<32x1024xf32, #tpu.memory_space<vmem>>
    tpu.enqueue_dma source(%dma_start3A_360 : memref<32x1024xf32, #tpu.memory_space<vmem>>) target(%dma_start3A_356 : memref<32x1024xf32, #tpu.memory_space<hbm>>) target_semaphore(%arg12 : memref<!tpu.dma_semaphore, #tpu.memory_space<semaphore_mem>>)
    %dma_wait3A_361 = arith.constant 1 : i32
    %dma_wait3A_362 = arith.constant 0 : i32
    %dma_wait3A_363 = arith.constant 0 : i32
    %dma_wait3A_364 = arith.constant 0 : i32
    %dma_wait3A_365 = tpu.memref_slice %arg6[%dma_wait3A_362, %dma_wait3A_363, %dma_wait3A_364] : memref<3x32x1024xf32, #tpu.memory_space<vmem>> -> memref<1x32x1024xf32, #tpu.memory_space<vmem>>
    %dma_wait3A_366 = tpu.memref_squeeze %dma_wait3A_365 : memref<1x32x1024xf32, #tpu.memory_space<vmem>> -> memref<32x1024xf32, #tpu.memory_space<vmem>>
    %dma_wait3A_367 = arith.constant 64 : i32
    %dma_wait3A_368 = tpu.memref_slice %arg5[%dma_wait3A_361, %dma_wait3A_367] : memref<2x128xi32, #tpu.memory_space<vmem>> -> memref<1x32xi32, #tpu.memory_space<vmem>>
    %dma_wait3A_369 = tpu.memref_squeeze %dma_wait3A_368 : memref<1x32xi32, #tpu.memory_space<vmem>> -> memref<32xi32, #tpu.memory_space<vmem>>
    %dma_wait3A_370 = arith.constant 0 : i32
    %dma_wait3A_371 = arith.constant 0 : i32
    %dma_wait3A_372 = tpu.memref_slice %arg3[%dma_wait3A_370, %dma_wait3A_371] : memref<100000x1024xf32, #tpu.memory_space<hbm>> -> memref<100000x1024xf32, #tpu.memory_space<hbm>>
    tpu.wait_indirect_dma semaphore(%arg7 : memref<!tpu.dma_semaphore, #tpu.memory_space<semaphore_mem>>) src(%dma_wait3A_372 : memref<100000x1024xf32, #tpu.memory_space<hbm>>) dst(%dma_wait3A_366 : memref<32x1024xf32, #tpu.memory_space<vmem>>)
    %add3A_373 = arith.constant 192 : i32
    %add3A_374 = arith.addi %add3A_37, %add3A_373 : i32
    %dma_start3A_375 = arith.constant 0 : i32
    %dma_start3A_376 = arith.constant 0 : i32
    %dma_start3A_377 = arith.constant 0 : i32
    %dma_start3A_378 = tpu.memref_slice %arg6[%dma_start3A_375, %dma_start3A_376, %dma_start3A_377] : memref<3x32x1024xf32, #tpu.memory_space<vmem>> -> memref<1x32x1024xf32, #tpu.memory_space<vmem>>
    %dma_start3A_379 = tpu.memref_squeeze %dma_start3A_378 : memref<1x32x1024xf32, #tpu.memory_space<vmem>> -> memref<32x1024xf32, #tpu.memory_space<vmem>>
    %dma_start3A_380 = arith.constant 0 : i32
    %dma_start3A_381 = tpu.memref_slice %arg4[%add3A_374, %dma_start3A_380] : memref<9216x1024xf32, #tpu.memory_space<hbm>> -> memref<32x1024xf32, #tpu.memory_space<hbm>>
    %dma_start3A_382 = arith.constant 0 : i32
    %dma_start3A_383 = tpu.memref_slice %arg4[%add3A_374, %dma_start3A_382] : memref<9216x1024xf32, #tpu.memory_space<hbm>> -> memref<32x1024xf32, #tpu.memory_space<hbm>>
    %dma_start3A_384 = arith.constant 0 : i32
    %dma_start3A_385 = arith.constant 0 : i32
    %dma_start3A_386 = tpu.memref_slice %arg6[%dma_start3A_375, %dma_start3A_384, %dma_start3A_385] : memref<3x32x1024xf32, #tpu.memory_space<vmem>> -> memref<1x32x1024xf32, #tpu.memory_space<vmem>>
    %dma_start3A_387 = tpu.memref_squeeze %dma_start3A_386 : memref<1x32x1024xf32, #tpu.memory_space<vmem>> -> memref<32x1024xf32, #tpu.memory_space<vmem>>
    tpu.enqueue_dma source(%dma_start3A_387 : memref<32x1024xf32, #tpu.memory_space<vmem>>) target(%dma_start3A_383 : memref<32x1024xf32, #tpu.memory_space<hbm>>) target_semaphore(%arg10 : memref<!tpu.dma_semaphore, #tpu.memory_space<semaphore_mem>>)
    %dma_wait3A_388 = arith.constant 1 : i32
    %dma_wait3A_389 = arith.constant 1 : i32
    %dma_wait3A_390 = arith.constant 0 : i32
    %dma_wait3A_391 = arith.constant 0 : i32
    %dma_wait3A_392 = tpu.memref_slice %arg6[%dma_wait3A_389, %dma_wait3A_390, %dma_wait3A_391] : memref<3x32x1024xf32, #tpu.memory_space<vmem>> -> memref<1x32x1024xf32, #tpu.memory_space<vmem>>
    %dma_wait3A_393 = tpu.memref_squeeze %dma_wait3A_392 : memref<1x32x1024xf32, #tpu.memory_space<vmem>> -> memref<32x1024xf32, #tpu.memory_space<vmem>>
    %dma_wait3A_394 = arith.constant 96 : i32
    %dma_wait3A_395 = tpu.memref_slice %arg5[%dma_wait3A_388, %dma_wait3A_394] : memref<2x128xi32, #tpu.memory_space<vmem>> -> memref<1x32xi32, #tpu.memory_space<vmem>>
    %dma_wait3A_396 = tpu.memref_squeeze %dma_wait3A_395 : memref<1x32xi32, #tpu.memory_space<vmem>> -> memref<32xi32, #tpu.memory_space<vmem>>
    %dma_wait3A_397 = arith.constant 0 : i32
    %dma_wait3A_398 = arith.constant 0 : i32
    %dma_wait3A_399 = tpu.memref_slice %arg3[%dma_wait3A_397, %dma_wait3A_398] : memref<100000x1024xf32, #tpu.memory_space<hbm>> -> memref<100000x1024xf32, #tpu.memory_space<hbm>>
    tpu.wait_indirect_dma semaphore(%arg8 : memref<!tpu.dma_semaphore, #tpu.memory_space<semaphore_mem>>) src(%dma_wait3A_399 : memref<100000x1024xf32, #tpu.memory_space<hbm>>) dst(%dma_wait3A_393 : memref<32x1024xf32, #tpu.memory_space<vmem>>)
    %add3A_400 = arith.constant 224 : i32
    %add3A_401 = arith.addi %add3A_37, %add3A_400 : i32
    %dma_start3A_402 = arith.constant 1 : i32
    %dma_start3A_403 = arith.constant 0 : i32
    %dma_start3A_404 = arith.constant 0 : i32
    %dma_start3A_405 = tpu.memref_slice %arg6[%dma_start3A_402, %dma_start3A_403, %dma_start3A_404] : memref<3x32x1024xf32, #tpu.memory_space<vmem>> -> memref<1x32x1024xf32, #tpu.memory_space<vmem>>
    %dma_start3A_406 = tpu.memref_squeeze %dma_start3A_405 : memref<1x32x1024xf32, #tpu.memory_space<vmem>> -> memref<32x1024xf32, #tpu.memory_space<vmem>>
    %dma_start3A_407 = arith.constant 0 : i32
    %dma_start3A_408 = tpu.memref_slice %arg4[%add3A_401, %dma_start3A_407] : memref<9216x1024xf32, #tpu.memory_space<hbm>> -> memref<32x1024xf32, #tpu.memory_space<hbm>>
    %dma_start3A_409 = arith.constant 0 : i32
    %dma_start3A_410 = tpu.memref_slice %arg4[%add3A_401, %dma_start3A_409] : memref<9216x1024xf32, #tpu.memory_space<hbm>> -> memref<32x1024xf32, #tpu.memory_space<hbm>>
    %dma_start3A_411 = arith.constant 0 : i32
    %dma_start3A_412 = arith.constant 0 : i32
    %dma_start3A_413 = tpu.memref_slice %arg6[%dma_start3A_402, %dma_start3A_411, %dma_start3A_412] : memref<3x32x1024xf32, #tpu.memory_space<vmem>> -> memref<1x32x1024xf32, #tpu.memory_space<vmem>>
    %dma_start3A_414 = tpu.memref_squeeze %dma_start3A_413 : memref<1x32x1024xf32, #tpu.memory_space<vmem>> -> memref<32x1024xf32, #tpu.memory_space<vmem>>
    tpu.enqueue_dma source(%dma_start3A_414 : memref<32x1024xf32, #tpu.memory_space<vmem>>) target(%dma_start3A_410 : memref<32x1024xf32, #tpu.memory_space<hbm>>) target_semaphore(%arg11 : memref<!tpu.dma_semaphore, #tpu.memory_space<semaphore_mem>>)
    %dma_wait3A_415 = arith.constant 2 : i32
    %dma_wait3A_416 = arith.constant 0 : i32
    %dma_wait3A_417 = arith.constant 0 : i32
    %dma_wait3A_418 = tpu.memref_slice %arg6[%dma_wait3A_415, %dma_wait3A_416, %dma_wait3A_417] : memref<3x32x1024xf32, #tpu.memory_space<vmem>> -> memref<1x32x1024xf32, #tpu.memory_space<vmem>>
    %dma_wait3A_419 = tpu.memref_squeeze %dma_wait3A_418 : memref<1x32x1024xf32, #tpu.memory_space<vmem>> -> memref<32x1024xf32, #tpu.memory_space<vmem>>
    %dma_wait3A_420 = arith.constant 0 : i32
    %dma_wait3A_421 = tpu.memref_slice %arg4[%add3A_347, %dma_wait3A_420] : memref<9216x1024xf32, #tpu.memory_space<hbm>> -> memref<32x1024xf32, #tpu.memory_space<hbm>>
    %dma_wait3A_422 = arith.constant 0 : i32
    %dma_wait3A_423 = tpu.memref_slice %arg4[%add3A_347, %dma_wait3A_422] : memref<9216x1024xf32, #tpu.memory_space<hbm>> -> memref<32x1024xf32, #tpu.memory_space<hbm>>
    %dma_wait3A_424 = arith.constant 0 : i32
    %dma_wait3A_425 = arith.constant 0 : i32
    %dma_wait3A_426 = tpu.memref_slice %arg6[%dma_wait3A_415, %dma_wait3A_424, %dma_wait3A_425] : memref<3x32x1024xf32, #tpu.memory_space<vmem>> -> memref<1x32x1024xf32, #tpu.memory_space<vmem>>
    %dma_wait3A_427 = tpu.memref_squeeze %dma_wait3A_426 : memref<1x32x1024xf32, #tpu.memory_space<vmem>> -> memref<32x1024xf32, #tpu.memory_space<vmem>>
    tpu.wait_dma2 semaphore(%arg12 : memref<!tpu.dma_semaphore, #tpu.memory_space<semaphore_mem>>) src(%dma_wait3A_427 : memref<32x1024xf32, #tpu.memory_space<vmem>>) dst(%dma_wait3A_423 : memref<32x1024xf32, #tpu.memory_space<hbm>>)
    %dma_wait3A_428 = arith.constant 0 : i32
    %dma_wait3A_429 = arith.constant 0 : i32
    %dma_wait3A_430 = arith.constant 0 : i32
    %dma_wait3A_431 = tpu.memref_slice %arg6[%dma_wait3A_428, %dma_wait3A_429, %dma_wait3A_430] : memref<3x32x1024xf32, #tpu.memory_space<vmem>> -> memref<1x32x1024xf32, #tpu.memory_space<vmem>>
    %dma_wait3A_432 = tpu.memref_squeeze %dma_wait3A_431 : memref<1x32x1024xf32, #tpu.memory_space<vmem>> -> memref<32x1024xf32, #tpu.memory_space<vmem>>
    %dma_wait3A_433 = arith.constant 0 : i32
    %dma_wait3A_434 = tpu.memref_slice %arg4[%add3A_374, %dma_wait3A_433] : memref<9216x1024xf32, #tpu.memory_space<hbm>> -> memref<32x1024xf32, #tpu.memory_space<hbm>>
    %dma_wait3A_435 = arith.constant 0 : i32
    %dma_wait3A_436 = tpu.memref_slice %arg4[%add3A_374, %dma_wait3A_435] : memref<9216x1024xf32, #tpu.memory_space<hbm>> -> memref<32x1024xf32, #tpu.memory_space<hbm>>
    %dma_wait3A_437 = arith.constant 0 : i32
    %dma_wait3A_438 = arith.constant 0 : i32
    %dma_wait3A_439 = tpu.memref_slice %arg6[%dma_wait3A_428, %dma_wait3A_437, %dma_wait3A_438] : memref<3x32x1024xf32, #tpu.memory_space<vmem>> -> memref<1x32x1024xf32, #tpu.memory_space<vmem>>
    %dma_wait3A_440 = tpu.memref_squeeze %dma_wait3A_439 : memref<1x32x1024xf32, #tpu.memory_space<vmem>> -> memref<32x1024xf32, #tpu.memory_space<vmem>>
    tpu.wait_dma2 semaphore(%arg10 : memref<!tpu.dma_semaphore, #tpu.memory_space<semaphore_mem>>) src(%dma_wait3A_440 : memref<32x1024xf32, #tpu.memory_space<vmem>>) dst(%dma_wait3A_436 : memref<32x1024xf32, #tpu.memory_space<hbm>>)
    %dma_wait3A_441 = arith.constant 1 : i32
    %dma_wait3A_442 = arith.constant 0 : i32
    %dma_wait3A_443 = arith.constant 0 : i32
    %dma_wait3A_444 = tpu.memref_slice %arg6[%dma_wait3A_441, %dma_wait3A_442, %dma_wait3A_443] : memref<3x32x1024xf32, #tpu.memory_space<vmem>> -> memref<1x32x1024xf32, #tpu.memory_space<vmem>>
    %dma_wait3A_445 = tpu.memref_squeeze %dma_wait3A_444 : memref<1x32x1024xf32, #tpu.memory_space<vmem>> -> memref<32x1024xf32, #tpu.memory_space<vmem>>
    %dma_wait3A_446 = arith.constant 0 : i32
    %dma_wait3A_447 = tpu.memref_slice %arg4[%add3A_401, %dma_wait3A_446] : memref<9216x1024xf32, #tpu.memory_space<hbm>> -> memref<32x1024xf32, #tpu.memory_space<hbm>>
    %dma_wait3A_448 = arith.constant 0 : i32
    %dma_wait3A_449 = tpu.memref_slice %arg4[%add3A_401, %dma_wait3A_448] : memref<9216x1024xf32, #tpu.memory_space<hbm>> -> memref<32x1024xf32, #tpu.memory_space<hbm>>
    %dma_wait3A_450 = arith.constant 0 : i32
    %dma_wait3A_451 = arith.constant 0 : i32
    %dma_wait3A_452 = tpu.memref_slice %arg6[%dma_wait3A_441, %dma_wait3A_450, %dma_wait3A_451] : memref<3x32x1024xf32, #tpu.memory_space<vmem>> -> memref<1x32x1024xf32, #tpu.memory_space<vmem>>
    %dma_wait3A_453 = tpu.memref_squeeze %dma_wait3A_452 : memref<1x32x1024xf32, #tpu.memory_space<vmem>> -> memref<32x1024xf32, #tpu.memory_space<vmem>>
    tpu.wait_dma2 semaphore(%arg11 : memref<!tpu.dma_semaphore, #tpu.memory_space<semaphore_mem>>) src(%dma_wait3A_453 : memref<32x1024xf32, #tpu.memory_space<vmem>>) dst(%dma_wait3A_449 : memref<32x1024xf32, #tpu.memory_space<hbm>>)
    return
  }
}

module attributes {stable_mosaic.version = 14 : i64} {
  func.func @_place_body(%arg0: i32, %arg1: memref<2x256x1024xf32, #tpu.memory_space<vmem>>, %arg2: memref<4x2304x1024xf32, #tpu.memory_space<any>>, %arg3: memref<2x256x1024xf32, #tpu.memory_space<vmem>>) attributes {dimension_semantics = [#tpu.dimension_semantics<arbitrary>], iteration_bounds = array<i64: 2>, scalar_prefetch = 0 : i64, scratch_operands = 0 : i64, tpu.core_type = #tpu.core_type<tc>, window_params = [{transform_indices = @transform_0, window_bounds = array<i64: 2, 256, 1024>}, {}, {transform_indices = @transform_2, window_bounds = array<i64: 2, 256, 1024>}]} {
    %get3A = arith.constant 0 : index
    %get3A_0 = arith.constant 0 : index
    %get3A_1 = arith.constant 0 : index
    %get3A_2 = vector.load %arg1[%get3A, %get3A_0, %get3A_1] : memref<2x256x1024xf32, #tpu.memory_space<vmem>>, vector<2x256x1024xf32>
    %swap3A = arith.constant 0 : index
    %swap3A_3 = arith.constant 0 : index
    %swap3A_4 = arith.constant 0 : index
    %swap3A_5 = vector.load %arg3[%swap3A, %swap3A_3, %swap3A_4] : memref<2x256x1024xf32, #tpu.memory_space<vmem>>, vector<2x256x1024xf32>
    tpu.vector_store %arg3[%swap3A, %swap3A_3, %swap3A_4], %get3A_2 {strides = array<i32>} : memref<2x256x1024xf32, #tpu.memory_space<vmem>>, vector<2x256x1024xf32>,
    return
  }
  func.func @transform_0(%arg0: i32) -> (i32, i32, i32) {
    %c0_i32 = arith.constant 0 : i32
    %c0_i32_0 = arith.constant 0 : i32
    %c0_i32_1 = arith.constant 0 : i32
    return %arg0, %c0_i32, %c0_i32_0 : i32, i32, i32
  }
  func.func @transform_2(%arg0: i32) -> (i32, i32, i32) {
    %c0_i32 = arith.constant 0 : i32
    %c0_i32_0 = arith.constant 0 : i32
    %c0_i32_1 = arith.constant 0 : i32
    return %arg0, %c0_i32, %c0_i32_0 : i32, i32, i32
  }
}

module attributes {stable_mosaic.version = 14 : i64} {
  func.func @_mm_body(%arg0: memref<1024x1024xf32, #tpu.memory_space<vmem>>, %arg1: memref<1024x1024xf32, #tpu.memory_space<vmem>>, %arg2: memref<1024xf32, #tpu.memory_space<vmem>>, %arg3: memref<1024x1024xf32, #tpu.memory_space<vmem>>) attributes {dimension_semantics = [], scalar_prefetch = 0 : i64, scratch_operands = 0 : i64, tpu.core_type = #tpu.core_type<tc>} {
    %get3A = arith.constant 0 : index
    %get3A_0 = arith.constant 0 : index
    %get3A_1 = vector.load %arg0[%get3A, %get3A_0] : memref<1024x1024xf32, #tpu.memory_space<vmem>>, vector<1024x1024xf32>
    %get3A_2 = arith.constant 0 : index
    %get3A_3 = arith.constant 0 : index
    %get3A_4 = vector.load %arg1[%get3A_2, %get3A_3] : memref<1024x1024xf32, #tpu.memory_space<vmem>>, vector<1024x1024xf32>
    %dot_general3A = arith.constant dense<0.000000e+00> : vector<1024x1024xf32>
    %dot_general3A_5 = tpu.matmul %get3A_1, %get3A_4, %dot_general3A {dimension_numbers = #tpu.dot_dimension_numbers<[1], [1], [0], [0], [0, 0, 1, 0], [], []>, transpose_lhs_hint = false} : vector<1024x1024xf32>, vector<1024x1024xf32>, vector<1024x1024xf32> -> vector<1024x1024xf32>
    %get3A_6 = arith.constant 0 : index
    %get3A_7 = vector.load %arg2[%get3A_6] : memref<1024xf32, #tpu.memory_space<vmem>>, vector<1024xf32>
    %broadcast_in_dim3A = vector.shape_cast %get3A_7 : vector<1024xf32> to vector<1x1024xf32>
    %add3A = vector.broadcast %broadcast_in_dim3A : vector<1x1024xf32> to vector<1024x1024xf32>
    %add3A_8 = arith.addf %dot_general3A_5, %add3A : vector<1024x1024xf32>
    %swap3A = arith.constant 0 : index
    %swap3A_9 = arith.constant 0 : index
    %swap3A_10 = vector.load %arg3[%swap3A, %swap3A_9] : memref<1024x1024xf32, #tpu.memory_space<vmem>>, vector<1024x1024xf32>
    tpu.vector_store %arg3[%swap3A, %swap3A_9], %add3A_8 {strides = array<i32>} : memref<1024x1024xf32, #tpu.memory_space<vmem>>, vector<1024x1024xf32>,
    return
  }
}

</mosaic_0001>

<sc_bundles>
// kernel: kernel.5.cloned.1.call-start
scs
__scs_entry_jumppad:
0x0: {  	(pc) =	sbr.rel $0x88, $3  }
0x1: {  	(tag) =	ssettag $0x0;
	lr =	simm.s32 $0x1  }
0x2: {  	[smem:$0x3F9C] =	sst lr;
	_ =	strace $0xD0000000  }
0x3: {  	_ = 	snop  }
0x4: {  	_ = 	snop  }
0x5: {  	_ = 	snop  }
0x6: {  	_ = 	snop  }
0x7: {  	_ = 	snop  }
__scs_overlays_trampoline_lowered:
0x8: {  	[smem:$0x3FAB] =	sst s0  }
0x9: {  	[smem:$0x3FAC] =	sst s1  }
0xa: {  	[smem:$0x3FAD] =	sst s2  }
0xb: {  	[smem:$0x3FAE] =	sst s3  }
0xc: {  	[smem:$0x3FAF] =	sst s4  }
0xd: {  	[smem:$0x3FB0] =	sst s5  }
0xe: {  	[smem:$0x3FB1] =	sst s6  }
0xf: {  	[smem:$0x3FB2] =	sst s7  }
0x10: {  	[smem:$0x3FB3] =	sst s8  }
0x11: {  	[smem:$0x3FB4] =	sst s9;
	s0 =	simm.s32 @!p0 $0x0  }
0x12: {  	s1 =	sld [smem:$0x3F9A];
	s0 =	simm.s32 @p0 $0x1  }
0x13: {  	[smem:$0x3FB5] =	sst s0;
	s0 =	simm.s32 @!p1 $0x0  }
0x14: {  	s2 =	sld [smem:$0x3F99];
	s0 =	simm.s32 @p1 $0x1  }
0x15: {  	[smem:$0x3FB6] =	sst s0;
	s0 =	simm.s32 @!p2 $0x0  }
0x16: {  	s3 =	sld [smem:$0x3FDB];
	s0 =	simm.s32 @p2 $0x1  }
0x17: {  	s4 =	simm.s32 $0x1BF5;
	[smem:$0x3FB8] =	sst s0  }
0x18: {  	s0 =	sld [smem:$0x3F9B];
	_ =	swait.ge [sflag:s4], $0x0  }
0x19: {  	s7 =	sld [smem:$0x3F9C]  }
0x1a: {  	s8 =	sadd.s32 $0xFFFFE003, lr  }
0x1b: {  	s9 =	sadd.s32 $0xFFFFFEF7, lr;
	s5 =	simm.s32 $0xFFFFFFFF;
	p2 =	slt.u32 s8, $0xFFFFF086  }
0x1c: {  	p1 =	slt.u32 s9, $0xF7A;
	s5 =	simm.s32 @!p2 $0x0  }
0x1d: {  	s5 =	simm.s32 @p1 $0x1;
	p0 =	seq.s32 s7, s2  }
0x1e: {  	s7 =	smul.u32 @!p0 $0xF7A, s2;
	p2 =	seq.s32 @!p0 s5, $0x0  }
0x1f: {  	s9 =	smul.u32 $0xF7A, s1;
	s8 =	simm.s32 @!p0 $0x1BF5;
	p2 =	por !p2, p0  }
0x20: {  	[sflag:s8] =	ssyncset.s32 @!p0 $0xFFFFF086;
	s6 =	sadd.s32 @!p0 s3, s7;
	s7 =	simm.s32 @!p0 $0x108  }
0x21: {  	s3 =	sadd.s32 s3, s9;
	s6 =	sadd.s32 @!p0 $0x88, s6;
	s7 =	simm.s32 @p2 $0x1082  }
0x22: {  	[simem:s7], [sflag:s8] =	dma.local @!p0 [hbm:s6], $0xF7A  }
0x23: {  	s9 =	sor.u32 $0xD0000000, s2;
	s6 =	simm.s32 $0x108;
	_ =	swait.ge @!p0 [sflag:s8], $0x0  }
0x24: {  	s3 =	sadd.s32 $0x88, s3;
	s6 =	simm.s32 @!p1 $0x1082;
	[sflag:s4] =	ssyncset.s32 $0xFFFFF086  }
0x25: {  	[simem:s6], [sflag:s4] =	dma.local [hbm:s3], $0xF7A  }
0x26: {  	[smem:$0x3F9C] =	sst s1;
	(tag) =	ssettag s2;
	_ =	strace s9  }
0x27: {  	s1 =	sld [smem:$0x3FAC]  }
0x28: {  	s2 =	sld [smem:$0x3FAD]  }
0x29: {  	s4 =	sld [smem:$0x3FAF]  }
0x2a: {  	p0 =	seq.s32 s5, $0x0;
	s5 =	sld [smem:$0x3FB0]  }
0x2b: {  	s6 =	sld [smem:$0x3FB1]  }
0x2c: {  	s7 =	sld [smem:$0x3FB2]  }
0x2d: {  	s3 =	simm.s32 $0x108;
	s8 =	sld [smem:$0x3FB3]  }
0x2e: {  	s3 =	simm.s32 @!p0 $0x1082;
	s9 =	sld [smem:$0x3FB4]  }
0x2f: {  	lr =	sadd.s32 s0, s3;
	s0 =	sld [smem:$0x3FAB]  }
0x30: {  	s3 =	sld [smem:$0x3FAE]  }
0x31: {  	[smem:$0x3FB7] =	sst s10  }
0x32: {  	s10 =	sld [smem:$0x3FB5];
	_ =	sdelay $0x3  }
0x33: {  	p0 =	seq.s32 s10, $0x1;
	s10 =	sld [smem:$0x3FB7];
	_ =	sdelay $0x3  }
0x34: {  	[smem:$0x3FB7] =	sst s10  }
0x35: {  	s10 =	sld [smem:$0x3FB6];
	_ =	sdelay $0x3  }
0x36: {  	p1 =	seq.s32 s10, $0x1;
	s10 =	sld [smem:$0x3FB7];
	_ =	sdelay $0x3  }
0x37: {  	[smem:$0x3FB7] =	sst s10  }
0x38: {  	s10 =	sld [smem:$0x3FB8]  }
0x39: {  	_ = 	snop;
	(pc) =	sbr.ind lr, $3  }
0x3a: {  	_ = 	snop  }
0x3b: {  	_ = 	snop  }
0x3c: {  	p2 =	seq.s32 s10, $0x1;
	s10 =	sld [smem:$0x3FB7]  }
0x3d: {  	_ =	shalt  }
0x3e: {  	_ =	shalt  }
0x3f: {  	_ =	shalt  }
0x40: {  	_ =	shalt  }
0x41: {  	_ =	shalt  }
0x42: {  	_ =	shalt  }
0x43: {  	_ =	shalt  }
0x44: {  	_ =	shalt  }
0x45: {  	_ =	shalt  }
0x46: {  	_ =	shalt  }
0x47: {  	_ =	shalt  }
0x48: {  	_ =	shalt  }
0x49: {  	_ =	shalt  }
0x4a: {  	_ =	shalt  }
0x4b: {  	_ =	shalt  }
0x4c: {  	_ =	shalt  }
0x4d: {  	_ =	shalt  }
0x4e: {  	_ =	shalt  }
0x4f: {  	_ =	shalt  }
0x50: {  	_ =	shalt  }
0x51: {  	_ =	shalt  }
0x52: {  	_ =	shalt  }
0x53: {  	_ =	shalt  }
0x54: {  	_ =	shalt  }
0x55: {  	_ =	shalt  }
0x56: {  	_ =	shalt  }
0x57: {  	_ =	shalt  }
0x58: {  	_ =	shalt  }
0x59: {  	_ =	shalt  }
0x5a: {  	_ =	shalt  }
0x5b: {  	_ =	shalt  }
0x5c: {  	_ =	shalt  }
0x5d: {  	_ =	shalt  }
0x5e: {  	_ =	shalt  }
0x5f: {  	_ =	shalt  }
0x60: {  	_ =	shalt  }
0x61: {  	_ =	shalt  }
0x62: {  	_ =	shalt  }
0x63: {  	_ =	shalt  }
0x64: {  	_ =	shalt  }
0x65: {  	_ =	shalt  }
0x66: {  	_ =	shalt  }
0x67: {  	_ =	shalt  }
0x68: {  	_ =	shalt  }
0x69: {  	_ =	shalt  }
0x6a: {  	_ =	shalt  }
0x6b: {  	_ =	shalt  }
0x6c: {  	_ =	shalt  }
0x6d: {  	_ =	shalt  }
0x6e: {  	_ =	shalt  }
0x6f: {  	_ =	shalt  }
0x70: {  	_ =	shalt  }
0x71: {  	_ =	shalt  }
0x72: {  	_ =	shalt  }
0x73: {  	_ =	shalt  }
0x74: {  	_ =	shalt  }
0x75: {  	_ =	shalt  }
0x76: {  	_ =	shalt  }
0x77: {  	_ =	shalt  }
0x78: {  	_ =	shalt  }
0x79: {  	_ =	shalt  }
0x7a: {  	_ =	shalt  }
0x7b: {  	_ =	shalt  }
0x7c: {  	_ =	shalt  }
0x7d: {  	_ =	shalt  }
0x7e: {  	_ =	shalt  }
0x7f: {  	_ =	shalt  }
0x80: {  	_ =	shalt  }
0x81: {  	_ =	shalt  }
0x82: {  	_ =	shalt  }
0x83: {  	_ =	shalt  }
0x84: {  	_ =	shalt  }
0x85: {  	_ =	shalt  }
0x86: {  	_ =	shalt  }
0x87: {  	_ =	shalt  }
.Lfunc_end0:
.L_simem_size_0:
called_computation_lowered:
.L_overlay_start_0:
0x88: {  	s2 =	sld [smem:$0x3FD9]  }
0x89: {  	s3 =	sld [smem:$0x3FFE];
	_ =	sdelay $0x1  }
0x8a: {  	s1 =	srdreg.scid  }
0x8b: {  	s0 =	sand.u32 $0x1, s1  }
0x8c: {  	s17 =	sshll.u32 s0, $0xA;
	s2 =	sadd.s32 s3, s2  }
0x8d: {  	s2 =	sadd.s32 s2, s17  }
0x8e: {  	[smem:$0x3FC3] =	sst s2  }
0x8f: {  	_ = 	snop  }
0x90: {  	s2 =	sld [smem:$0x3FC5]  }
0x91: {  	s18 =	sld [smem:$0x3FD0];
	(tm) =	ssettm $0x1  }
0x92: {  	s4 =	sld [smem:$0x3FFB];
	_ =	sdelay $0x3  }
0x93: {  	_ =	strace s4  }
0x94: {  	s4 =	sld [smem:$0x3FFC];
	_ =	sdelay $0x3  }
0x95: {  	_ =	strace s4  }
0x96: {  	s4 =	sld [smem:$0x3FFD];
	_ =	sdelay $0x3  }
0x97: {  	_ =	strace s4  }
0x98: {  	_ =	strace $0x8FFFFFFF  }
0x99: {  	s19 =	sld [smem:$0x3FDB];
	_ =	sdelay $0x1  }
0x9a: {  	s5 =	simm.s32 $_scs_section_size  }
0x9b: {  	s6 =	simm.s32 $_size__tile_overlayer_lowered;
	s7 =	simm.s32 $_tile_overlayer_lowered  }
0x9c: {  	s22 =	simm.s32 $0x1BFF;
	s21 =	sshll.u32 s7, $0x1;
	s4 =	sadd.s32 s5, s19  }
0x9d: {  	s8 =	simm.s32 $0x0;
	s20 =	sshll.u32 s6, $0x1;
	s6 =	sadd.s32 s21, s4  }
0x9e: {  	[timem:s8], [sflag:s22] =	dma.local [hbm:s6], s20  }
0x9f: {  	_ =	swait.ge [sflag:s22], s20  }
0xa0: {  	s5 =	ssub.s32 $0x0, s20;
	[sflag:s22] =	ssyncset.done $0x0  }
0xa1: {  	[sflag:s22] =	ssyncadd.s32 s5;
	_ =	sdelay $0x1  }
0xa2: {  	s23 =	simm.s32 $0x1B8B  }
0xa3: {  	_ =	swait.ge [sflag:s23], $0x1  }
0xa4: {  	[sflag:s23] =	ssyncset.done $0x0  }
0xa5: {  	s25 =	simm.s32 $0x1B8E;
	s24 =	sld [smem:$0x3FFE];
	[sflag:s23] =	ssyncadd.s32 $0xFFFFFFFF  }
0xa6: {  	s26 =	simm.s32 $execute0_lowered;
	[smem:$0x3FD2] =	sst s25  }
0xa7: {  	s6 =	sshll.u32 s26, $0x1;
	_ =	strace $0x80000046;
	[dreg:$0x1] =	wrdreg $0xFFFFFFFF  }
0xa8: {  	s28 =	simm.s32 $_size_execute0_lowered;
	s4 =	sadd.s32 s4, s6;
	[dreg:$0x0] =	wrdreg $0x0  }
0xa9: {  	s6 =	sshll.u32 s28, $0x1;
	[dreg:$0x2] =	wrdreg s4  }
0xaa: {  	[dreg:$0x3] =	wrdreg s6  }
0xab: {  	[dreg:$0x4] =	wrdreg $0xC0  }
0xac: {  	_ =	task [dreg:s8], $0x5FFFF  }
0xad: {  	[dreg:$0x1] =	wrdreg $0xFFFFFFFF  }
0xae: {  	[dreg:$0x0] =	wrdreg $0x60  }
0xaf: {  	[dreg:$0x2] =	wrdreg s24  }
0xb0: {  	[dreg:$0x3] =	wrdreg s2  }
0xb1: {  	[dreg:$0x4] =	wrdreg s18  }
0xb2: {  	[dreg:$0x5] =	wrdreg $0x9  }
0xb3: {  	_ =	task.clear_ibuf [dreg:s8], $0x6FFFF;
	_ =	strace $0x90000046  }
0xb4: {  	s29 =	simm.s32 $0x9;
	_ =	strace $0x80000048  }
0xb5: {  	_ =	swait.ge [sflag:s29], $0x1  }
0xb6: {  	[sflag:s29] =	ssyncadd.s32 $0xFFFFFFFF  }
0xb7: {  	_ =	strace $0x90000048  }
0xb8: {  	_ =	sfence  }
0xb9: {  	s30 =	sld [smem:$0x0];
	_ =	sdelay $0x2  }
0xba: {  	s31 =	sshll.u32 s1, $0xD;
	s1 =	sshrl.u32 s1, $0x2  }
0xbb: {  	s3 =	sand.u32 $0x4000, s31;
	s1 =	sadd.s32 s1, s30  }
0xbc: {  	s0 =	sor.u32 s3, s0;
	s1 =	sshll.u32 s1, $0x11  }
0xbd: {  	s0 =	sor.u32 s1, s0  }
0xbe: {  	s0 =	sadd.s32 $0x8F2B, s0  }
0xbf: {  	[sflag:s0] =	ssyncadd.remote.s32 $0x1  }
0xc0: {  	_ =	sfence.sel $0xFFFF  }
0xc1: {  	[dreg:$0x0] =	wrdreg $0xFFFFFFFF;
	(pc) =	sbr.abs _section_cstart, $3  }
0xc2: {  	[dreg:$0x1] =	wrdreg $0xFFFFFFFF  }
0xc3: {  	_ =	task.clear_ibuf [dreg:s8], $0x2FFFF;
	_ =	strace $0x9FFFFFFF  }
0xc4: {  	(tm) =	ssettm $0x7FFFFFFF  }
0xc5: {  	_ =	shalt  }
tec
execute0_lowered:
.L_overlay_start_1:
0x0: {  	(tag) =	ssettag $0x1  }
0x1: {  	s0 =	rddreg [dreg:$0x0]  }
0x2: {  	s2 =	srdreg.scid;
	s1 =	rddreg [dreg:$0x1]  }
0x3: {  	s5 =	stileid.u32;
	s6 =	rddreg [dreg:$0x2];
	s31 =	simm.s32 $0x3  }
0x4: {  	s9 =	simm.s32 $0x11900;
	s10 =	simm.s32 $0x12100;
	s11 =	simm.s32 $0x12900  }
0x5: {  	s12 =	simm.s32 $0x13100;
	s13 =	simm.s32 $0x13900;
	s14 =	simm.s32 $0x14100  }
0x6: {  	s15 =	simm.s32 $0x14900;
	s28 =	simm.s32 $0x16900;
	s2 =	sand.u32 $0x1, s2  }
0x7: {  	s3 =	sshll.u32 s5, $0x9;
	s5 =	sshrl.u32 s5, $0x2;
	s4 =	sshll.u32 s2, $0x8  }
0x8: {  	s29 =	simm.s32 $0x17100;
	s5 =	smul.u32 $0x900, s5;
	s4 =	sor.u32 s4, s3  }
0x9: {  	s30 =	simm.s32 $0x17900;
	s2 =	ssub.s32 $0x2, s2;
	s7 =	sand.u32 $0x700, s4  }
0xa: {  	s3 =	simm.s32 $0x0;
	s4 =	sshrl.u32 s4, $0x3;
	s5 =	sadd.s32 s7, s5  }
0xb: {  	s21 =	sshrl.u32 s2, $0x1;
	s0 =	sadd.s32 s4, s0;
	s16 =	sshll.u32 s5, $0x7  }
0xc: {  	[smem:$0x7FF] =	sst s3;
	s0 =	sadd.s32 $0xA00, s0;
	s17 =	sadd.s32 s6, s16  }
0xd: {  	_ =	strace $0x80000047;
	[dreg:$0x4] =	wrdreg s0;
	s18 =	sadd.s32 $0x8000, s17  }
0xe: {  	s2 =	ssub.s32 s2, s21;
	s19 =	sadd.s32 $0x9000, s17;
	[dreg:$0x5] =	wrdreg s18  }
0xf: {  	s21 =	simm.s32 $0x5;
	s20 =	sadd.s32 $0xA000, s17;
	[dreg:$0x6] =	wrdreg s19  }
0x10: {  	s4 =	sadd.s32 $0x100, s1;
	s22 =	sadd.s32 $0xB000, s17;
	[dreg:$0x7] =	wrdreg s20  }
0x11: {  	s7 =	smax.u32 s2, $0x1;
	s23 =	sadd.s32 $0xC000, s17;
	[dreg:$0x8] =	wrdreg s22  }
0x12: {  	s5 =	sadd.s32 $0x200, s1;
	s24 =	sadd.s32 $0xD000, s17;
	[dreg:$0x9] =	wrdreg s23  }
0x13: {  	s6 =	sadd.s32 $0x300, s1;
	s25 =	sadd.s32 $0xE000, s17;
	[dreg:$0xa] =	wrdreg s24  }
0x14: {  	s16 =	simm.s32 $0x15100;
	s26 =	sadd.s32 $0xF000, s17;
	[dreg:$0xb] =	wrdreg s25  }
0x15: {  	v2 =	vlaneseq.u32;
	s17 =	simm.s32 $0x15900;
	[dreg:$0xc] =	wrdreg s26;
	s18 =	simm.s32 $0x1  }
0x16: {  	vm0 =	vmmov $0xffff;
	v1 =	vshrl.u32 v2, $0x3;
	s19 =	simm.s32 $0x4;
	s20 =	simm.s32 $0x2;
	s23 =	simm.s32 $0x6  }
0x17: {  	v0 =	vand.u32 $0x7, v2;
	v2 =	vor.u32 $0x8, v2;
	v1 =	vmul.u32 $0x8, v1;
	s25 =	simm.s32 $0x100;
	s22 =	simm.s32 $0x10900;
	s26 =	simm.s32 $0x16100  }
.LBB2_1:
0x18: {  	s24 =	rddreg [dreg:$0x4];
	s8 =	simm.s32 $0x7  }
0x19: {  	[tilespmem:s3], [sflag:$0x7] =	stream.linear.gather [hbm4b:s24+s3], $0x100, $0x38;
	[tilespmem:$0x18100] =	vst v63  }
0x1a: {  	_ =	swait.ge [sflag:s8], $0x100  }
0x1b: {  	[sflag:s8] =	ssyncset.done $0x0  }
0x1c: {  	[sflag:s8] =	ssyncadd.s32 $0xFFFFFF00  }
0x1d: {  	v3 =	vld [tilespmem:$0x0];
	_ =	sdelay $0x4  }
0x1e: {  	v4 =	vshll.u32 v3, $0x3  }
0x1f: {  	v3 =	vand.u32 $0x7, v3;
	v4 =	vand.u32 $0xFFFFFFC0, v4  }
0x20: {  	v3 =	vor.u32 v3, v4  }
0x21: {  	v4 =	vperm.xlane v3, v0;
	_ =	sdelay $0x1  }
0x22: {  	v4 =	vadd.s32 v1, v4;
	_ =	sdelay $0x4  }
0x23: {  	[tilespmem:s25], [sflag:$0x1] =	stream.indirect_vreg.gather [hbm4b:s1+s3], $0x80, v4, vm0, $0xb8;
	[tilespmem:$0x18100] =	vst v63  }
0x24: {  	s0 =	simm.s32 $0x900;
	v3 =	vperm.xlane v3, v2  }
0x25: {  	[tilespmem:s0], [sflag:$0x1] =	stream.indirect_vreg.gather [hbm4b:s4+s3], $0x80, v4, vm0, $0xb8;
	[tilespmem:$0x18100] =	vst v63  }
0x26: {  	s24 =	simm.s32 $0x1100;
	v3 =	vadd.s32 v1, v3  }
0x27: {  	[tilespmem:s24], [sflag:$0x1] =	stream.indirect_vreg.gather [hbm4b:s5+s3], $0x80, v4, vm0, $0xb8;
	[tilespmem:$0x18100] =	vst v63  }
0x28: {  	s2 =	simm.s32 $0x1900  }
0x29: {  	[tilespmem:s2], [sflag:$0x1] =	stream.indirect_vreg.gather [hbm4b:s6+s3], $0x80, v4, vm0, $0xb8;
	[tilespmem:$0x18100] =	vst v63  }
0x2a: {  	s8 =	simm.s32 $0x2100  }
0x2b: {  	[tilespmem:s8], [sflag:$0x1] =	stream.indirect_vreg.gather [hbm4b:s1+s3], $0x80, v3, vm0, $0xb8;
	[tilespmem:$0x18100] =	vst v63  }
0x2c: {  	s24 =	simm.s32 $0x2900  }
0x2d: {  	[tilespmem:s24], [sflag:$0x1] =	stream.indirect_vreg.gather [hbm4b:s4+s3], $0x80, v3, vm0, $0xb8;
	[tilespmem:$0x18100] =	vst v63  }
0x2e: {  	s2 =	simm.s32 $0x3100  }
0x2f: {  	[tilespmem:s2], [sflag:$0x1] =	stream.indirect_vreg.gather [hbm4b:s5+s3], $0x80, v3, vm0, $0xb8;
	[tilespmem:$0x18100] =	vst v63  }
0x30: {  	s8 =	simm.s32 $0x3900  }
0x31: {  	[tilespmem:s8], [sflag:$0x1] =	stream.indirect_vreg.gather [hbm4b:s6+s3], $0x80, v3, vm0, $0xb8;
	[tilespmem:$0x18100] =	vst v63  }
0x32: {  	v3 =	vld [tilespmem:$0x10];
	_ =	sdelay $0x4  }
0x33: {  	v49 =	vshll.u32 v3, $0x3  }
0x34: {  	v3 =	vand.u32 $0x7, v3;
	v4 =	vand.u32 $0xFFFFFFC0, v49  }
0x35: {  	v3 =	vor.u32 v3, v4  }
0x36: {  	v4 =	vperm.xlane v3, v0;
	_ =	sdelay $0x1  }
0x37: {  	v4 =	vadd.s32 v1, v4;
	_ =	sdelay $0x3  }
0x38: {  	s24 =	simm.s32 $0x4100  }
0x39: {  	[tilespmem:s24], [sflag:$0x1] =	stream.indirect_vreg.gather [hbm4b:s1+s3], $0x80, v4, vm0, $0xb8;
	[tilespmem:$0x18100] =	vst v63  }
0x3a: {  	s2 =	simm.s32 $0x4900;
	v3 =	vperm.xlane v3, v2  }
0x3b: {  	[tilespmem:s2], [sflag:$0x1] =	stream.indirect_vreg.gather [hbm4b:s4+s3], $0x80, v4, vm0, $0xb8;
	[tilespmem:$0x18100] =	vst v63  }
0x3c: {  	s8 =	simm.s32 $0x5100;
	v3 =	vadd.s32 v1, v3  }
0x3d: {  	[tilespmem:s8], [sflag:$0x1] =	stream.indirect_vreg.gather [hbm4b:s5+s3], $0x80, v4, vm0, $0xb8;
	[tilespmem:$0x18100] =	vst v63  }
0x3e: {  	s24 =	simm.s32 $0x5900  }
0x3f: {  	[tilespmem:s24], [sflag:$0x1] =	stream.indirect_vreg.gather [hbm4b:s6+s3], $0x80, v4, vm0, $0xb8;
	[tilespmem:$0x18100] =	vst v63  }
0x40: {  	s2 =	simm.s32 $0x6100  }
0x41: {  	[tilespmem:s2], [sflag:$0x1] =	stream.indirect_vreg.gather [hbm4b:s1+s3], $0x80, v3, vm0, $0xb8;
	[tilespmem:$0x18100] =	vst v63  }
0x42: {  	s8 =	simm.s32 $0x6900  }
0x43: {  	[tilespmem:s8], [sflag:$0x1] =	stream.indirect_vreg.gather [hbm4b:s4+s3], $0x80, v3, vm0, $0xb8;
	[tilespmem:$0x18100] =	vst v63  }
0x44: {  	s24 =	simm.s32 $0x7100  }
0x45: {  	[tilespmem:s24], [sflag:$0x1] =	stream.indirect_vreg.gather [hbm4b:s5+s3], $0x80, v3, vm0, $0xb8;
	[tilespmem:$0x18100] =	vst v63  }
0x46: {  	s2 =	simm.s32 $0x7900  }
0x47: {  	[tilespmem:s2], [sflag:$0x1] =	stream.indirect_vreg.gather [hbm4b:s6+s3], $0x80, v3, vm0, $0xb8;
	[tilespmem:$0x18100] =	vst v63  }
0x48: {  	v3 =	vld [tilespmem:$0x20];
	_ =	sdelay $0x4  }
0x49: {  	v50 =	vshll.u32 v3, $0x3  }
0x4a: {  	v3 =	vand.u32 $0x7, v3;
	v4 =	vand.u32 $0xFFFFFFC0, v50  }
0x4b: {  	v3 =	vor.u32 v3, v4  }
0x4c: {  	v4 =	vperm.xlane v3, v0;
	_ =	sdelay $0x1  }
0x4d: {  	v4 =	vadd.s32 v1, v4;
	_ =	sdelay $0x3  }
0x4e: {  	s0 =	simm.s32 $0x8100  }
0x4f: {  	[tilespmem:s0], [sflag:$0x2] =	stream.indirect_vreg.gather [hbm4b:s1+s3], $0x80, v4, vm0, $0xb8;
	[tilespmem:$0x18100] =	vst v63  }
0x50: {  	s2 =	simm.s32 $0x8900;
	v3 =	vperm.xlane v3, v2  }
0x51: {  	[tilespmem:s2], [sflag:$0x2] =	stream.indirect_vreg.gather [hbm4b:s4+s3], $0x80, v4, vm0, $0xb8;
	[tilespmem:$0x18100] =	vst v63  }
0x52: {  	s8 =	simm.s32 $0x9100;
	v3 =	vadd.s32 v1, v3  }
0x53: {  	[tilespmem:s8], [sflag:$0x2] =	stream.indirect_vreg.gather [hbm4b:s5+s3], $0x80, v4, vm0, $0xb8;
	[tilespmem:$0x18100] =	vst v63  }
0x54: {  	s24 =	simm.s32 $0x9900  }
0x55: {  	[tilespmem:s24], [sflag:$0x2] =	stream.indirect_vreg.gather [hbm4b:s6+s3], $0x80, v4, vm0, $0xb8;
	[tilespmem:$0x18100] =	vst v63  }
0x56: {  	s8 =	simm.s32 $0xA100  }
0x57: {  	[tilespmem:s8], [sflag:$0x2] =	stream.indirect_vreg.gather [hbm4b:s1+s3], $0x80, v3, vm0, $0xb8;
	[tilespmem:$0x18100] =	vst v63  }
0x58: {  	s24 =	simm.s32 $0xA900  }
0x59: {  	[tilespmem:s24], [sflag:$0x2] =	stream.indirect_vreg.gather [hbm4b:s4+s3], $0x80, v3, vm0, $0xb8;
	[tilespmem:$0x18100] =	vst v63  }
0x5a: {  	s8 =	simm.s32 $0xB100  }
0x5b: {  	[tilespmem:s8], [sflag:$0x2] =	stream.indirect_vreg.gather [hbm4b:s5+s3], $0x80, v3, vm0, $0xb8;
	[tilespmem:$0x18100] =	vst v63  }
0x5c: {  	s24 =	simm.s32 $0xB900  }
0x5d: {  	[tilespmem:s24], [sflag:$0x2] =	stream.indirect_vreg.gather [hbm4b:s6+s3], $0x80, v3, vm0, $0xb8;
	[tilespmem:$0x18100] =	vst v63  }
0x5e: {  	v3 =	vld [tilespmem:$0x30];
	_ =	sdelay $0x4  }
0x5f: {  	v51 =	vshll.u32 v3, $0x3  }
0x60: {  	v3 =	vand.u32 $0x7, v3;
	v4 =	vand.u32 $0xFFFFFFC0, v51  }
0x61: {  	v3 =	vor.u32 v3, v4  }
0x62: {  	v4 =	vperm.xlane v3, v0;
	_ =	sdelay $0x1  }
0x63: {  	v4 =	vadd.s32 v1, v4;
	_ =	sdelay $0x3  }
0x64: {  	s8 =	simm.s32 $0xC100  }
0x65: {  	[tilespmem:s8], [sflag:$0x2] =	stream.indirect_vreg.gather [hbm4b:s1+s3], $0x80, v4, vm0, $0xb8;
	[tilespmem:$0x18100] =	vst v63  }
0x66: {  	s24 =	simm.s32 $0xC900;
	v3 =	vperm.xlane v3, v2  }
0x67: {  	[tilespmem:s24], [sflag:$0x2] =	stream.indirect_vreg.gather [hbm4b:s4+s3], $0x80, v4, vm0, $0xb8;
	[tilespmem:$0x18100] =	vst v63  }
0x68: {  	v3 =	vadd.s32 v1, v3;
	s8 =	simm.s32 $0xD100  }
0x69: {  	[tilespmem:s8], [sflag:$0x2] =	stream.indirect_vreg.gather [hbm4b:s5+s3], $0x80, v4, vm0, $0xb8;
	[tilespmem:$0x18100] =	vst v63  }
0x6a: {  	s24 =	simm.s32 $0xD900  }
0x6b: {  	[tilespmem:s24], [sflag:$0x2] =	stream.indirect_vreg.gather [hbm4b:s6+s3], $0x80, v4, vm0, $0xb8;
	[tilespmem:$0x18100] =	vst v63  }
0x6c: {  	s8 =	simm.s32 $0xE100  }
0x6d: {  	[tilespmem:s8], [sflag:$0x2] =	stream.indirect_vreg.gather [hbm4b:s1+s3], $0x80, v3, vm0, $0xb8;
	[tilespmem:$0x18100] =	vst v63  }
0x6e: {  	s24 =	simm.s32 $0xE900  }
0x6f: {  	[tilespmem:s24], [sflag:$0x2] =	stream.indirect_vreg.gather [hbm4b:s4+s3], $0x80, v3, vm0, $0xb8;
	[tilespmem:$0x18100] =	vst v63  }
0x70: {  	s8 =	simm.s32 $0xF100  }
0x71: {  	[tilespmem:s8], [sflag:$0x2] =	stream.indirect_vreg.gather [hbm4b:s5+s3], $0x80, v3, vm0, $0xb8;
	[tilespmem:$0x18100] =	vst v63  }
0x72: {  	s24 =	simm.s32 $0xF900  }
0x73: {  	[tilespmem:s24], [sflag:$0x2] =	stream.indirect_vreg.gather [hbm4b:s6+s3], $0x80, v3, vm0, $0xb8;
	[tilespmem:$0x18100] =	vst v63  }
0x74: {  	v3 =	vld [tilespmem:$0x40];
	_ =	sdelay $0x4  }
0x75: {  	v52 =	vshll.u32 v3, $0x3  }
0x76: {  	v3 =	vand.u32 $0x7, v3;
	v4 =	vand.u32 $0xFFFFFFC0, v52  }
0x77: {  	v3 =	vor.u32 v3, v4  }
0x78: {  	v4 =	vperm.xlane v3, v0;
	_ =	sdelay $0x1  }
0x79: {  	v4 =	vadd.s32 v1, v4;
	_ =	sdelay $0x3  }
0x7a: {  	s2 =	simm.s32 $0x10100  }
0x7b: {  	[tilespmem:s2], [sflag:$0x3] =	stream.indirect_vreg.gather [hbm4b:s1+s3], $0x80, v4, vm0, $0xb8;
	[tilespmem:$0x18100] =	vst v63  }
0x7c: {  	v3 =	vperm.xlane v3, v2  }
0x7d: {  	[tilespmem:s22], [sflag:$0x3] =	stream.indirect_vreg.gather [hbm4b:s4+s3], $0x80, v4, vm0, $0xb8;
	[tilespmem:$0x18100] =	vst v63  }
0x7e: {  	s8 =	simm.s32 $0x11100;
	v3 =	vadd.s32 v1, v3  }
0x7f: {  	[tilespmem:s8], [sflag:$0x3] =	stream.indirect_vreg.gather [hbm4b:s5+s3], $0x80, v4, vm0, $0xb8;
	[tilespmem:$0x18100] =	vst v63  }
0x80: {  	_ = 	snop  }
0x81: {  	[tilespmem:s9], [sflag:$0x3] =	stream.indirect_vreg.gather [hbm4b:s6+s3], $0x80, v4, vm0, $0xb8;
	[tilespmem:$0x18100] =	vst v63  }
0x82: {  	_ = 	snop  }
0x83: {  	[tilespmem:s10], [sflag:$0x3] =	stream.indirect_vreg.gather [hbm4b:s1+s3], $0x80, v3, vm0, $0xb8;
	[tilespmem:$0x18100] =	vst v63  }
0x84: {  	_ = 	snop  }
0x85: {  	[tilespmem:s11], [sflag:$0x3] =	stream.indirect_vreg.gather [hbm4b:s4+s3], $0x80, v3, vm0, $0xb8;
	[tilespmem:$0x18100] =	vst v63  }
0x86: {  	_ = 	snop  }
0x87: {  	[tilespmem:s12], [sflag:$0x3] =	stream.indirect_vreg.gather [hbm4b:s5+s3], $0x80, v3, vm0, $0xb8;
	[tilespmem:$0x18100] =	vst v63  }
0x88: {  	_ = 	snop  }
0x89: {  	[tilespmem:s13], [sflag:$0x3] =	stream.indirect_vreg.gather [hbm4b:s6+s3], $0x80, v3, vm0, $0xb8;
	[tilespmem:$0x18100] =	vst v63  }
0x8a: {  	v3 =	vld [tilespmem:$0x50];
	_ =	sdelay $0x4  }
0x8b: {  	v53 =	vshll.u32 v3, $0x3  }
0x8c: {  	v3 =	vand.u32 $0x7, v3;
	v4 =	vand.u32 $0xFFFFFFC0, v53  }
0x8d: {  	v3 =	vor.u32 v3, v4  }
0x8e: {  	v4 =	vperm.xlane v3, v0;
	_ =	sdelay $0x1  }
0x8f: {  	v4 =	vadd.s32 v1, v4;
	_ =	sdelay $0x4  }
0x90: {  	[tilespmem:s14], [sflag:$0x3] =	stream.indirect_vreg.gather [hbm4b:s1+s3], $0x80, v4, vm0, $0xb8;
	[tilespmem:$0x18100] =	vst v63  }
0x91: {  	v3 =	vperm.xlane v3, v2  }
0x92: {  	[tilespmem:s15], [sflag:$0x3] =	stream.indirect_vreg.gather [hbm4b:s4+s3], $0x80, v4, vm0, $0xb8;
	[tilespmem:$0x18100] =	vst v63  }
0x93: {  	v3 =	vadd.s32 v1, v3  }
0x94: {  	[tilespmem:s16], [sflag:$0x3] =	stream.indirect_vreg.gather [hbm4b:s5+s3], $0x80, v4, vm0, $0xb8;
	[tilespmem:$0x18100] =	vst v63  }
0x95: {  	_ = 	snop  }
0x96: {  	[tilespmem:s17], [sflag:$0x3] =	stream.indirect_vreg.gather [hbm4b:s6+s3], $0x80, v4, vm0, $0xb8;
	[tilespmem:$0x18100] =	vst v63  }
0x97: {  	_ = 	snop  }
0x98: {  	[tilespmem:s26], [sflag:$0x3] =	stream.indirect_vreg.gather [hbm4b:s1+s3], $0x80, v3, vm0, $0xb8;
	[tilespmem:$0x18100] =	vst v63  }
0x99: {  	_ = 	snop  }
0x9a: {  	[tilespmem:s28], [sflag:$0x3] =	stream.indirect_vreg.gather [hbm4b:s4+s3], $0x80, v3, vm0, $0xb8;
	[tilespmem:$0x18100] =	vst v63  }
0x9b: {  	_ = 	snop  }
0x9c: {  	[tilespmem:s29], [sflag:$0x3] =	stream.indirect_vreg.gather [hbm4b:s5+s3], $0x80, v3, vm0, $0xb8;
	[tilespmem:$0x18100] =	vst v63  }
0x9d: {  	_ = 	snop  }
0x9e: {  	[tilespmem:s30], [sflag:$0x3] =	stream.indirect_vreg.gather [hbm4b:s6+s3], $0x80, v3, vm0, $0xb8;
	[tilespmem:$0x18100] =	vst v63  }
0x9f: {  	_ =	swait.ge [sflag:s18], $0x8000  }
0xa0: {  	[sflag:s18] =	ssyncset.done $0x0  }
0xa1: {  	s24 =	rddreg [dreg:$0x5];
	[sflag:s18] =	ssyncadd.s32 $0xFFFF8000  }
0xa2: {  	[hbm4b:s24+s3] =	stream.linear.scatter [tilespmem:s25], [sflag:$0x4], $0x8000, $0x38;
	[tilespmem:$0x18100] =	vst v63  }
0xa3: {  	_ =	swait.ge [sflag:s19], $0x8000  }
0xa4: {  	[sflag:s19] =	ssyncset.done $0x0  }
0xa5: {  	[sflag:s19] =	ssyncadd.s32 $0xFFFF8000  }
0xa6: {  	v3 =	vld [tilespmem:$0x60];
	_ =	sdelay $0x4  }
0xa7: {  	v54 =	vshll.u32 v3, $0x3  }
0xa8: {  	v3 =	vand.u32 $0x7, v3;
	v4 =	vand.u32 $0xFFFFFFC0, v54  }
0xa9: {  	v3 =	vor.u32 v3, v4  }
0xaa: {  	v4 =	vperm.xlane v3, v0;
	_ =	sdelay $0x1  }
0xab: {  	v4 =	vadd.s32 v1, v4;
	_ =	sdelay $0x4  }
0xac: {  	[tilespmem:s25], [sflag:$0x1] =	stream.indirect_vreg.gather [hbm4b:s1+s3], $0x80, v4, vm0, $0xb8;
	[tilespmem:$0x18100] =	vst v63  }
0xad: {  	s24 =	simm.s32 $0x900;
	v3 =	vperm.xlane v3, v2  }
0xae: {  	[tilespmem:s24], [sflag:$0x1] =	stream.indirect_vreg.gather [hbm4b:s4+s3], $0x80, v4, vm0, $0xb8;
	[tilespmem:$0x18100] =	vst v63  }
0xaf: {  	v3 =	vadd.s32 v1, v3;
	s24 =	simm.s32 $0x1100  }
0xb0: {  	[tilespmem:s24], [sflag:$0x1] =	stream.indirect_vreg.gather [hbm4b:s5+s3], $0x80, v4, vm0, $0xb8;
	[tilespmem:$0x18100] =	vst v63  }
0xb1: {  	s24 =	simm.s32 $0x1900  }
0xb2: {  	[tilespmem:s24], [sflag:$0x1] =	stream.indirect_vreg.gather [hbm4b:s6+s3], $0x80, v4, vm0, $0xb8;
	[tilespmem:$0x18100] =	vst v63  }
0xb3: {  	s24 =	simm.s32 $0x2100  }
0xb4: {  	[tilespmem:s24], [sflag:$0x1] =	stream.indirect_vreg.gather [hbm4b:s1+s3], $0x80, v3, vm0, $0xb8;
	[tilespmem:$0x18100] =	vst v63  }
0xb5: {  	s24 =	simm.s32 $0x2900  }
0xb6: {  	[tilespmem:s24], [sflag:$0x1] =	stream.indirect_vreg.gather [hbm4b:s4+s3], $0x80, v3, vm0, $0xb8;
	[tilespmem:$0x18100] =	vst v63  }
0xb7: {  	s24 =	simm.s32 $0x3100  }
0xb8: {  	[tilespmem:s24], [sflag:$0x1] =	stream.indirect_vreg.gather [hbm4b:s5+s3], $0x80, v3, vm0, $0xb8;
	[tilespmem:$0x18100] =	vst v63  }
0xb9: {  	s24 =	simm.s32 $0x3900  }
0xba: {  	[tilespmem:s24], [sflag:$0x1] =	stream.indirect_vreg.gather [hbm4b:s6+s3], $0x80, v3, vm0, $0xb8;
	[tilespmem:$0x18100] =	vst v63  }
0xbb: {  	v3 =	vld [tilespmem:$0x70];
	_ =	sdelay $0x4  }
0xbc: {  	v55 =	vshll.u32 v3, $0x3  }
0xbd: {  	v3 =	vand.u32 $0x7, v3;
	v4 =	vand.u32 $0xFFFFFFC0, v55  }
0xbe: {  	v3 =	vor.u32 v3, v4  }
0xbf: {  	v4 =	vperm.xlane v3, v0;
	_ =	sdelay $0x1  }
0xc0: {  	v4 =	vadd.s32 v1, v4;
	_ =	sdelay $0x3  }
0xc1: {  	s24 =	simm.s32 $0x4100  }
0xc2: {  	[tilespmem:s24], [sflag:$0x1] =	stream.indirect_vreg.gather [hbm4b:s1+s3], $0x80, v4, vm0, $0xb8;
	[tilespmem:$0x18100] =	vst v63  }
0xc3: {  	v3 =	vperm.xlane v3, v2;
	s24 =	simm.s32 $0x4900  }
0xc4: {  	[tilespmem:s24], [sflag:$0x1] =	stream.indirect_vreg.gather [hbm4b:s4+s3], $0x80, v4, vm0, $0xb8;
	[tilespmem:$0x18100] =	vst v63  }
0xc5: {  	v3 =	vadd.s32 v1, v3;
	s24 =	simm.s32 $0x5100  }
0xc6: {  	[tilespmem:s24], [sflag:$0x1] =	stream.indirect_vreg.gather [hbm4b:s5+s3], $0x80, v4, vm0, $0xb8;
	[tilespmem:$0x18100] =	vst v63  }
0xc7: {  	s24 =	simm.s32 $0x5900  }
0xc8: {  	[tilespmem:s24], [sflag:$0x1] =	stream.indirect_vreg.gather [hbm4b:s6+s3], $0x80, v4, vm0, $0xb8;
	[tilespmem:$0x18100] =	vst v63  }
0xc9: {  	s24 =	simm.s32 $0x6100  }
0xca: {  	[tilespmem:s24], [sflag:$0x1] =	stream.indirect_vreg.gather [hbm4b:s1+s3], $0x80, v3, vm0, $0xb8;
	[tilespmem:$0x18100] =	vst v63  }
0xcb: {  	s24 =	simm.s32 $0x6900  }
0xcc: {  	[tilespmem:s24], [sflag:$0x1] =	stream.indirect_vreg.gather [hbm4b:s4+s3], $0x80, v3, vm0, $0xb8;
	[tilespmem:$0x18100] =	vst v63  }
0xcd: {  	s24 =	simm.s32 $0x7100  }
0xce: {  	[tilespmem:s24], [sflag:$0x1] =	stream.indirect_vreg.gather [hbm4b:s5+s3], $0x80, v3, vm0, $0xb8;
	[tilespmem:$0x18100] =	vst v63  }
0xcf: {  	s24 =	simm.s32 $0x7900  }
0xd0: {  	[tilespmem:s24], [sflag:$0x1] =	stream.indirect_vreg.gather [hbm4b:s6+s3], $0x80, v3, vm0, $0xb8;
	[tilespmem:$0x18100] =	vst v63  }
0xd1: {  	_ =	swait.ge [sflag:s20], $0x8000  }
0xd2: {  	[sflag:s20] =	ssyncset.done $0x0  }
0xd3: {  	s24 =	rddreg [dreg:$0x6];
	[sflag:s20] =	ssyncadd.s32 $0xFFFF8000  }
0xd4: {  	[hbm4b:s24+s3] =	stream.linear.scatter [tilespmem:s0], [sflag:$0x5], $0x8000, $0x38;
	[tilespmem:$0x18100] =	vst v63  }
0xd5: {  	_ =	swait.ge [sflag:s21], $0x8000  }
0xd6: {  	[sflag:s21] =	ssyncset.done $0x0  }
0xd7: {  	[sflag:s21] =	ssyncadd.s32 $0xFFFF8000  }
0xd8: {  	v3 =	vld [tilespmem:$0x80];
	_ =	sdelay $0x4  }
0xd9: {  	v56 =	vshll.u32 v3, $0x3  }
0xda: {  	v3 =	vand.u32 $0x7, v3;
	v4 =	vand.u32 $0xFFFFFFC0, v56  }
0xdb: {  	v3 =	vor.u32 v3, v4  }
0xdc: {  	v4 =	vperm.xlane v3, v0;
	_ =	sdelay $0x1  }
0xdd: {  	v4 =	vadd.s32 v1, v4;
	_ =	sdelay $0x4  }
0xde: {  	[tilespmem:s0], [sflag:$0x2] =	stream.indirect_vreg.gather [hbm4b:s1+s3], $0x80, v4, vm0, $0xb8;
	[tilespmem:$0x18100] =	vst v63  }
0xdf: {  	s24 =	simm.s32 $0x8900;
	v3 =	vperm.xlane v3, v2  }
0xe0: {  	[tilespmem:s24], [sflag:$0x2] =	stream.indirect_vreg.gather [hbm4b:s4+s3], $0x80, v4, vm0, $0xb8;
	[tilespmem:$0x18100] =	vst v63  }
0xe1: {  	v3 =	vadd.s32 v1, v3;
	s24 =	simm.s32 $0x9100  }
0xe2: {  	[tilespmem:s24], [sflag:$0x2] =	stream.indirect_vreg.gather [hbm4b:s5+s3], $0x80, v4, vm0, $0xb8;
	[tilespmem:$0x18100] =	vst v63  }
0xe3: {  	s24 =	simm.s32 $0x9900  }
0xe4: {  	[tilespmem:s24], [sflag:$0x2] =	stream.indirect_vreg.gather [hbm4b:s6+s3], $0x80, v4, vm0, $0xb8;
	[tilespmem:$0x18100] =	vst v63  }
0xe5: {  	s24 =	simm.s32 $0xA100  }
0xe6: {  	[tilespmem:s24], [sflag:$0x2] =	stream.indirect_vreg.gather [hbm4b:s1+s3], $0x80, v3, vm0, $0xb8;
	[tilespmem:$0x18100] =	vst v63  }
0xe7: {  	s24 =	simm.s32 $0xA900  }
0xe8: {  	[tilespmem:s24], [sflag:$0x2] =	stream.indirect_vreg.gather [hbm4b:s4+s3], $0x80, v3, vm0, $0xb8;
	[tilespmem:$0x18100] =	vst v63  }
0xe9: {  	s24 =	simm.s32 $0xB100  }
0xea: {  	[tilespmem:s24], [sflag:$0x2] =	stream.indirect_vreg.gather [hbm4b:s5+s3], $0x80, v3, vm0, $0xb8;
	[tilespmem:$0x18100] =	vst v63  }
0xeb: {  	s24 =	simm.s32 $0xB900  }
0xec: {  	[tilespmem:s24], [sflag:$0x2] =	stream.indirect_vreg.gather [hbm4b:s6+s3], $0x80, v3, vm0, $0xb8;
	[tilespmem:$0x18100] =	vst v63  }
0xed: {  	v3 =	vld [tilespmem:$0x90];
	_ =	sdelay $0x4  }
0xee: {  	v57 =	vshll.u32 v3, $0x3  }
0xef: {  	v3 =	vand.u32 $0x7, v3;
	v4 =	vand.u32 $0xFFFFFFC0, v57  }
0xf0: {  	v3 =	vor.u32 v3, v4  }
0xf1: {  	v4 =	vperm.xlane v3, v0;
	_ =	sdelay $0x1  }
0xf2: {  	v4 =	vadd.s32 v1, v4;
	_ =	sdelay $0x3  }
0xf3: {  	s24 =	simm.s32 $0xC100  }
0xf4: {  	[tilespmem:s24], [sflag:$0x2] =	stream.indirect_vreg.gather [hbm4b:s1+s3], $0x80, v4, vm0, $0xb8;
	[tilespmem:$0x18100] =	vst v63  }
0xf5: {  	v3 =	vperm.xlane v3, v2;
	s24 =	simm.s32 $0xC900  }
0xf6: {  	[tilespmem:s24], [sflag:$0x2] =	stream.indirect_vreg.gather [hbm4b:s4+s3], $0x80, v4, vm0, $0xb8;
	[tilespmem:$0x18100] =	vst v63  }
0xf7: {  	v3 =	vadd.s32 v1, v3;
	s24 =	simm.s32 $0xD100  }
0xf8: {  	[tilespmem:s24], [sflag:$0x2] =	stream.indirect_vreg.gather [hbm4b:s5+s3], $0x80, v4, vm0, $0xb8;
	[tilespmem:$0x18100] =	vst v63  }
0xf9: {  	s24 =	simm.s32 $0xD900  }
0xfa: {  	[tilespmem:s24], [sflag:$0x2] =	stream.indirect_vreg.gather [hbm4b:s6+s3], $0x80, v4, vm0, $0xb8;
	[tilespmem:$0x18100] =	vst v63  }
0xfb: {  	s24 =	simm.s32 $0xE100  }
0xfc: {  	[tilespmem:s24], [sflag:$0x2] =	stream.indirect_vreg.gather [hbm4b:s1+s3], $0x80, v3, vm0, $0xb8;
	[tilespmem:$0x18100] =	vst v63  }
0xfd: {  	s24 =	simm.s32 $0xE900  }
0xfe: {  	[tilespmem:s24], [sflag:$0x2] =	stream.indirect_vreg.gather [hbm4b:s4+s3], $0x80, v3, vm0, $0xb8;
	[tilespmem:$0x18100] =	vst v63  }
0xff: {  	s24 =	simm.s32 $0xF100  }
0x100: {  	[tilespmem:s24], [sflag:$0x2] =	stream.indirect_vreg.gather [hbm4b:s5+s3], $0x80, v3, vm0, $0xb8;
	[tilespmem:$0x18100] =	vst v63  }
0x101: {  	s24 =	simm.s32 $0xF900  }
0x102: {  	[tilespmem:s24], [sflag:$0x2] =	stream.indirect_vreg.gather [hbm4b:s6+s3], $0x80, v3, vm0, $0xb8;
	[tilespmem:$0x18100] =	vst v63  }
0x103: {  	_ =	swait.ge [sflag:s31], $0x8000  }
0x104: {  	[sflag:s31] =	ssyncset.done $0x0  }
0x105: {  	s24 =	rddreg [dreg:$0x7];
	[sflag:s31] =	ssyncadd.s32 $0xFFFF8000  }
0x106: {  	[hbm4b:s24+s3] =	stream.linear.scatter [tilespmem:s2], [sflag:$0x6], $0x8000, $0x38;
	[tilespmem:$0x18100] =	vst v63  }
0x107: {  	_ =	swait.ge [sflag:s23], $0x8000  }
0x108: {  	[sflag:s23] =	ssyncset.done $0x0  }
0x109: {  	[sflag:s23] =	ssyncadd.s32 $0xFFFF8000  }
0x10a: {  	v3 =	vld [tilespmem:$0xA0];
	_ =	sdelay $0x4  }
0x10b: {  	v58 =	vshll.u32 v3, $0x3  }
0x10c: {  	v3 =	vand.u32 $0x7, v3;
	v4 =	vand.u32 $0xFFFFFFC0, v58  }
0x10d: {  	v3 =	vor.u32 v3, v4  }
0x10e: {  	v4 =	vperm.xlane v3, v0;
	_ =	sdelay $0x1  }
0x10f: {  	v4 =	vadd.s32 v1, v4;
	_ =	sdelay $0x4  }
0x110: {  	[tilespmem:s2], [sflag:$0x3] =	stream.indirect_vreg.gather [hbm4b:s1+s3], $0x80, v4, vm0, $0xb8;
	[tilespmem:$0x18100] =	vst v63  }
0x111: {  	v3 =	vperm.xlane v3, v2  }
0x112: {  	[tilespmem:s22], [sflag:$0x3] =	stream.indirect_vreg.gather [hbm4b:s4+s3], $0x80, v4, vm0, $0xb8;
	[tilespmem:$0x18100] =	vst v63  }
0x113: {  	v3 =	vadd.s32 v1, v3  }
0x114: {  	[tilespmem:s8], [sflag:$0x3] =	stream.indirect_vreg.gather [hbm4b:s5+s3], $0x80, v4, vm0, $0xb8;
	[tilespmem:$0x18100] =	vst v63  }
0x115: {  	_ = 	snop  }
0x116: {  	[tilespmem:s9], [sflag:$0x3] =	stream.indirect_vreg.gather [hbm4b:s6+s3], $0x80, v4, vm0, $0xb8;
	[tilespmem:$0x18100] =	vst v63  }
0x117: {  	_ = 	snop  }
0x118: {  	[tilespmem:s10], [sflag:$0x3] =	stream.indirect_vreg.gather [hbm4b:s1+s3], $0x80, v3, vm0, $0xb8;
	[tilespmem:$0x18100] =	vst v63  }
0x119: {  	_ = 	snop  }
0x11a: {  	[tilespmem:s11], [sflag:$0x3] =	stream.indirect_vreg.gather [hbm4b:s4+s3], $0x80, v3, vm0, $0xb8;
	[tilespmem:$0x18100] =	vst v63  }
0x11b: {  	_ = 	snop  }
0x11c: {  	[tilespmem:s12], [sflag:$0x3] =	stream.indirect_vreg.gather [hbm4b:s5+s3], $0x80, v3, vm0, $0xb8;
	[tilespmem:$0x18100] =	vst v63  }
0x11d: {  	_ = 	snop  }
0x11e: {  	[tilespmem:s13], [sflag:$0x3] =	stream.indirect_vreg.gather [hbm4b:s6+s3], $0x80, v3, vm0, $0xb8;
	[tilespmem:$0x18100] =	vst v63  }
0x11f: {  	v3 =	vld [tilespmem:$0xB0];
	_ =	sdelay $0x4  }
0x120: {  	v59 =	vshll.u32 v3, $0x3  }
0x121: {  	v3 =	vand.u32 $0x7, v3;
	v4 =	vand.u32 $0xFFFFFFC0, v59  }
0x122: {  	v3 =	vor.u32 v3, v4  }
0x123: {  	v4 =	vperm.xlane v3, v0;
	_ =	sdelay $0x1  }
0x124: {  	v4 =	vadd.s32 v1, v4;
	_ =	sdelay $0x4  }
0x125: {  	[tilespmem:s14], [sflag:$0x3] =	stream.indirect_vreg.gather [hbm4b:s1+s3], $0x80, v4, vm0, $0xb8;
	[tilespmem:$0x18100] =	vst v63  }
0x126: {  	v3 =	vperm.xlane v3, v2  }
0x127: {  	[tilespmem:s15], [sflag:$0x3] =	stream.indirect_vreg.gather [hbm4b:s4+s3], $0x80, v4, vm0, $0xb8;
	[tilespmem:$0x18100] =	vst v63  }
0x128: {  	v3 =	vadd.s32 v1, v3  }
0x129: {  	[tilespmem:s16], [sflag:$0x3] =	stream.indirect_vreg.gather [hbm4b:s5+s3], $0x80, v4, vm0, $0xb8;
	[tilespmem:$0x18100] =	vst v63  }
0x12a: {  	_ = 	snop  }
0x12b: {  	[tilespmem:s17], [sflag:$0x3] =	stream.indirect_vreg.gather [hbm4b:s6+s3], $0x80, v4, vm0, $0xb8;
	[tilespmem:$0x18100] =	vst v63  }
0x12c: {  	_ = 	snop  }
0x12d: {  	[tilespmem:s26], [sflag:$0x3] =	stream.indirect_vreg.gather [hbm4b:s1+s3], $0x80, v3, vm0, $0xb8;
	[tilespmem:$0x18100] =	vst v63  }
0x12e: {  	_ = 	snop  }
0x12f: {  	[tilespmem:s28], [sflag:$0x3] =	stream.indirect_vreg.gather [hbm4b:s4+s3], $0x80, v3, vm0, $0xb8;
	[tilespmem:$0x18100] =	vst v63  }
0x130: {  	_ = 	snop  }
0x131: {  	[tilespmem:s29], [sflag:$0x3] =	stream.indirect_vreg.gather [hbm4b:s5+s3], $0x80, v3, vm0, $0xb8;
	[tilespmem:$0x18100] =	vst v63  }
0x132: {  	_ = 	snop  }
0x133: {  	[tilespmem:s30], [sflag:$0x3] =	stream.indirect_vreg.gather [hbm4b:s6+s3], $0x80, v3, vm0, $0xb8;
	[tilespmem:$0x18100] =	vst v63  }
0x134: {  	_ =	swait.ge [sflag:s18], $0x8000  }
0x135: {  	[sflag:s18] =	ssyncset.done $0x0  }
0x136: {  	s8 =	rddreg [dreg:$0x8];
	[sflag:s18] =	ssyncadd.s32 $0xFFFF8000  }
0x137: {  	[hbm4b:s8+s3] =	stream.linear.scatter [tilespmem:s25], [sflag:$0x4], $0x8000, $0x38;
	[tilespmem:$0x18100] =	vst v63  }
0x138: {  	_ =	swait.ge [sflag:s19], $0x8000  }
0x139: {  	[sflag:s19] =	ssyncset.done $0x0  }
0x13a: {  	[sflag:s19] =	ssyncadd.s32 $0xFFFF8000  }
0x13b: {  	v3 =	vld [tilespmem:$0xC0];
	_ =	sdelay $0x4  }
0x13c: {  	v60 =	vshll.u32 v3, $0x3  }
0x13d: {  	v3 =	vand.u32 $0x7, v3;
	v4 =	vand.u32 $0xFFFFFFC0, v60  }
0x13e: {  	v3 =	vor.u32 v3, v4  }
0x13f: {  	v4 =	vperm.xlane v3, v0;
	_ =	sdelay $0x1  }
0x140: {  	v4 =	vadd.s32 v1, v4;
	_ =	sdelay $0x4  }
0x141: {  	[tilespmem:s25], [sflag:$0x1] =	stream.indirect_vreg.gather [hbm4b:s1+s3], $0x80, v4, vm0, $0xb8;
	[tilespmem:$0x18100] =	vst v63  }
0x142: {  	s24 =	simm.s32 $0x900;
	v3 =	vperm.xlane v3, v2  }
0x143: {  	[tilespmem:s24], [sflag:$0x1] =	stream.indirect_vreg.gather [hbm4b:s4+s3], $0x80, v4, vm0, $0xb8;
	[tilespmem:$0x18100] =	vst v63  }
0x144: {  	v3 =	vadd.s32 v1, v3;
	s24 =	simm.s32 $0x1100  }
0x145: {  	[tilespmem:s24], [sflag:$0x1] =	stream.indirect_vreg.gather [hbm4b:s5+s3], $0x80, v4, vm0, $0xb8;
	[tilespmem:$0x18100] =	vst v63  }
0x146: {  	s24 =	simm.s32 $0x1900  }
0x147: {  	[tilespmem:s24], [sflag:$0x1] =	stream.indirect_vreg.gather [hbm4b:s6+s3], $0x80, v4, vm0, $0xb8;
	[tilespmem:$0x18100] =	vst v63  }
0x148: {  	s24 =	simm.s32 $0x2100  }
0x149: {  	[tilespmem:s24], [sflag:$0x1] =	stream.indirect_vreg.gather [hbm4b:s1+s3], $0x80, v3, vm0, $0xb8;
	[tilespmem:$0x18100] =	vst v63  }
0x14a: {  	s24 =	simm.s32 $0x2900  }
0x14b: {  	[tilespmem:s24], [sflag:$0x1] =	stream.indirect_vreg.gather [hbm4b:s4+s3], $0x80, v3, vm0, $0xb8;
	[tilespmem:$0x18100] =	vst v63  }
0x14c: {  	s24 =	simm.s32 $0x3100  }
0x14d: {  	[tilespmem:s24], [sflag:$0x1] =	stream.indirect_vreg.gather [hbm4b:s5+s3], $0x80, v3, vm0, $0xb8;
	[tilespmem:$0x18100] =	vst v63  }
0x14e: {  	s24 =	simm.s32 $0x3900  }
0x14f: {  	[tilespmem:s24], [sflag:$0x1] =	stream.indirect_vreg.gather [hbm4b:s6+s3], $0x80, v3, vm0, $0xb8;
	[tilespmem:$0x18100] =	vst v63  }
0x150: {  	v3 =	vld [tilespmem:$0xD0];
	_ =	sdelay $0x4  }
0x151: {  	v61 =	vshll.u32 v3, $0x3  }
0x152: {  	v3 =	vand.u32 $0x7, v3;
	v4 =	vand.u32 $0xFFFFFFC0, v61  }
0x153: {  	v3 =	vor.u32 v3, v4  }
0x154: {  	v4 =	vperm.xlane v3, v0;
	_ =	sdelay $0x1  }
0x155: {  	v4 =	vadd.s32 v1, v4;
	_ =	sdelay $0x3  }
0x156: {  	s24 =	simm.s32 $0x4100  }
0x157: {  	[tilespmem:s24], [sflag:$0x1] =	stream.indirect_vreg.gather [hbm4b:s1+s3], $0x80, v4, vm0, $0xb8;
	[tilespmem:$0x18100] =	vst v63  }
0x158: {  	v3 =	vperm.xlane v3, v2;
	s24 =	simm.s32 $0x4900  }
0x159: {  	[tilespmem:s24], [sflag:$0x1] =	stream.indirect_vreg.gather [hbm4b:s4+s3], $0x80, v4, vm0, $0xb8;
	[tilespmem:$0x18100] =	vst v63  }
0x15a: {  	v3 =	vadd.s32 v1, v3;
	s24 =	simm.s32 $0x5100  }
0x15b: {  	[tilespmem:s24], [sflag:$0x1] =	stream.indirect_vreg.gather [hbm4b:s5+s3], $0x80, v4, vm0, $0xb8;
	[tilespmem:$0x18100] =	vst v63  }
0x15c: {  	s24 =	simm.s32 $0x5900  }
0x15d: {  	[tilespmem:s24], [sflag:$0x1] =	stream.indirect_vreg.gather [hbm4b:s6+s3], $0x80, v4, vm0, $0xb8;
	[tilespmem:$0x18100] =	vst v63  }
0x15e: {  	s24 =	simm.s32 $0x6100  }
0x15f: {  	[tilespmem:s24], [sflag:$0x1] =	stream.indirect_vreg.gather [hbm4b:s1+s3], $0x80, v3, vm0, $0xb8;
	[tilespmem:$0x18100] =	vst v63  }
0x160: {  	s24 =	simm.s32 $0x6900  }
0x161: {  	[tilespmem:s24], [sflag:$0x1] =	stream.indirect_vreg.gather [hbm4b:s4+s3], $0x80, v3, vm0, $0xb8;
	[tilespmem:$0x18100] =	vst v63  }
0x162: {  	s24 =	simm.s32 $0x7100  }
0x163: {  	[tilespmem:s24], [sflag:$0x1] =	stream.indirect_vreg.gather [hbm4b:s5+s3], $0x80, v3, vm0, $0xb8;
	[tilespmem:$0x18100] =	vst v63  }
0x164: {  	s24 =	simm.s32 $0x7900  }
0x165: {  	[tilespmem:s24], [sflag:$0x1] =	stream.indirect_vreg.gather [hbm4b:s6+s3], $0x80, v3, vm0, $0xb8;
	[tilespmem:$0x18100] =	vst v63  }
0x166: {  	_ =	swait.ge [sflag:s20], $0x8000  }
0x167: {  	[sflag:s20] =	ssyncset.done $0x0  }
0x168: {  	s8 =	rddreg [dreg:$0x9];
	[sflag:s20] =	ssyncadd.s32 $0xFFFF8000  }
0x169: {  	[hbm4b:s8+s3] =	stream.linear.scatter [tilespmem:s0], [sflag:$0x5], $0x8000, $0x38;
	[tilespmem:$0x18100] =	vst v63  }
0x16a: {  	_ =	swait.ge [sflag:s21], $0x8000  }
0x16b: {  	[sflag:s21] =	ssyncset.done $0x0  }
0x16c: {  	[sflag:s21] =	ssyncadd.s32 $0xFFFF8000  }
0x16d: {  	v3 =	vld [tilespmem:$0xE0];
	_ =	sdelay $0x4  }
0x16e: {  	v62 =	vshll.u32 v3, $0x3  }
0x16f: {  	v3 =	vand.u32 $0x7, v3;
	v4 =	vand.u32 $0xFFFFFFC0, v62  }
0x170: {  	v3 =	vor.u32 v3, v4  }
0x171: {  	v4 =	vperm.xlane v3, v0;
	_ =	sdelay $0x1  }
0x172: {  	v4 =	vadd.s32 v1, v4;
	_ =	sdelay $0x4  }
0x173: {  	[tilespmem:s0], [sflag:$0x2] =	stream.indirect_vreg.gather [hbm4b:s1+s3], $0x80, v4, vm0, $0xb8;
	[tilespmem:$0x18100] =	vst v63  }
0x174: {  	s24 =	simm.s32 $0x8900;
	v3 =	vperm.xlane v3, v2  }
0x175: {  	[tilespmem:s24], [sflag:$0x2] =	stream.indirect_vreg.gather [hbm4b:s4+s3], $0x80, v4, vm0, $0xb8;
	[tilespmem:$0x18100] =	vst v63  }
0x176: {  	v3 =	vadd.s32 v1, v3;
	s24 =	simm.s32 $0x9100  }
0x177: {  	[tilespmem:s24], [sflag:$0x2] =	stream.indirect_vreg.gather [hbm4b:s5+s3], $0x80, v4, vm0, $0xb8;
	[tilespmem:$0x18100] =	vst v63  }
0x178: {  	s24 =	simm.s32 $0x9900  }
0x179: {  	[tilespmem:s24], [sflag:$0x2] =	stream.indirect_vreg.gather [hbm4b:s6+s3], $0x80, v4, vm0, $0xb8;
	[tilespmem:$0x18100] =	vst v63  }
0x17a: {  	s24 =	simm.s32 $0xA100  }
0x17b: {  	[tilespmem:s24], [sflag:$0x2] =	stream.indirect_vreg.gather [hbm4b:s1+s3], $0x80, v3, vm0, $0xb8;
	[tilespmem:$0x18100] =	vst v63  }
0x17c: {  	s24 =	simm.s32 $0xA900  }
0x17d: {  	[tilespmem:s24], [sflag:$0x2] =	stream.indirect_vreg.gather [hbm4b:s4+s3], $0x80, v3, vm0, $0xb8;
	[tilespmem:$0x18100] =	vst v63  }
0x17e: {  	s24 =	simm.s32 $0xB100  }
0x17f: {  	[tilespmem:s24], [sflag:$0x2] =	stream.indirect_vreg.gather [hbm4b:s5+s3], $0x80, v3, vm0, $0xb8;
	[tilespmem:$0x18100] =	vst v63  }
0x180: {  	s24 =	simm.s32 $0xB900  }
0x181: {  	[tilespmem:s24], [sflag:$0x2] =	stream.indirect_vreg.gather [hbm4b:s6+s3], $0x80, v3, vm0, $0xb8;
	[tilespmem:$0x18100] =	vst v63  }
0x182: {  	v3 =	vld [tilespmem:$0xF0];
	_ =	sdelay $0x4  }
0x183: {  	v63 =	vshll.u32 v3, $0x3  }
0x184: {  	v3 =	vand.u32 $0x7, v3;
	v4 =	vand.u32 $0xFFFFFFC0, v63  }
0x185: {  	v3 =	vor.u32 v3, v4  }
0x186: {  	v4 =	vperm.xlane v3, v0;
	_ =	sdelay $0x1  }
0x187: {  	v4 =	vadd.s32 v1, v4;
	_ =	sdelay $0x3  }
0x188: {  	s24 =	simm.s32 $0xC100  }
0x189: {  	[tilespmem:s24], [sflag:$0x2] =	stream.indirect_vreg.gather [hbm4b:s1+s3], $0x80, v4, vm0, $0xb8;
	[tilespmem:$0x18100] =	vst v63  }
0x18a: {  	v3 =	vperm.xlane v3, v2;
	s24 =	simm.s32 $0xC900  }
0x18b: {  	[tilespmem:s24], [sflag:$0x2] =	stream.indirect_vreg.gather [hbm4b:s4+s3], $0x80, v4, vm0, $0xb8;
	[tilespmem:$0x18100] =	vst v63  }
0x18c: {  	v3 =	vadd.s32 v1, v3;
	s24 =	simm.s32 $0xD100  }
0x18d: {  	[tilespmem:s24], [sflag:$0x2] =	stream.indirect_vreg.gather [hbm4b:s5+s3], $0x80, v4, vm0, $0xb8;
	[tilespmem:$0x18100] =	vst v63  }
0x18e: {  	s24 =	simm.s32 $0xD900  }
0x18f: {  	[tilespmem:s24], [sflag:$0x2] =	stream.indirect_vreg.gather [hbm4b:s6+s3], $0x80, v4, vm0, $0xb8;
	[tilespmem:$0x18100] =	vst v63  }
0x190: {  	s24 =	simm.s32 $0xE100  }
0x191: {  	[tilespmem:s24], [sflag:$0x2] =	stream.indirect_vreg.gather [hbm4b:s1+s3], $0x80, v3, vm0, $0xb8;
	[tilespmem:$0x18100] =	vst v63  }
0x192: {  	s24 =	simm.s32 $0xE900  }
0x193: {  	[tilespmem:s24], [sflag:$0x2] =	stream.indirect_vreg.gather [hbm4b:s4+s3], $0x80, v3, vm0, $0xb8;
	[tilespmem:$0x18100] =	vst v63  }
0x194: {  	s24 =	simm.s32 $0xF100  }
0x195: {  	[tilespmem:s24], [sflag:$0x2] =	stream.indirect_vreg.gather [hbm4b:s5+s3], $0x80, v3, vm0, $0xb8;
	[tilespmem:$0x18100] =	vst v63  }
0x196: {  	s24 =	simm.s32 $0xF900  }
0x197: {  	[tilespmem:s24], [sflag:$0x2] =	stream.indirect_vreg.gather [hbm4b:s6+s3], $0x80, v3, vm0, $0xb8;
	[tilespmem:$0x18100] =	vst v63  }
0x198: {  	_ =	swait.ge [sflag:s31], $0x8000  }
0x199: {  	[sflag:s31] =	ssyncset.done $0x0  }
0x19a: {  	s8 =	rddreg [dreg:$0xa];
	[sflag:s31] =	ssyncadd.s32 $0xFFFF8000  }
0x19b: {  	[hbm4b:s8+s3] =	stream.linear.scatter [tilespmem:s2], [sflag:$0x6], $0x8000, $0x38;
	[tilespmem:$0x18100] =	vst v63  }
0x19c: {  	_ =	swait.ge [sflag:s18], $0x8000  }
0x19d: {  	[sflag:s18] =	ssyncset.done $0x0  }
0x19e: {  	s2 =	rddreg [dreg:$0xb];
	[sflag:s18] =	ssyncadd.s32 $0xFFFF8000  }
0x19f: {  	[hbm4b:s2+s3] =	stream.linear.scatter [tilespmem:s25], [sflag:$0x4], $0x8000, $0x38;
	[tilespmem:$0x18100] =	vst v63  }
0x1a0: {  	_ =	swait.ge [sflag:s20], $0x8000  }
0x1a1: {  	[sflag:s20] =	ssyncset.done $0x0  }
0x1a2: {  	s8 =	rddreg [dreg:$0xc];
	[sflag:s20] =	ssyncadd.s32 $0xFFFF8000  }
0x1a3: {  	[hbm4b:s8+s3] =	stream.linear.scatter [tilespmem:s0], [sflag:$0x5], $0x8000, $0x38;
	[tilespmem:$0x18100] =	vst v63  }
0x1a4: {  	_ =	swait.ge [sflag:s23], $0x8000  }
0x1a5: {  	[sflag:s23] =	ssyncset.done $0x0  }
0x1a6: {  	[sflag:s23] =	ssyncadd.s32 $0xFFFF8000  }
0x1a7: {  	p0 =	sne.s32 s7, $0x1;
	_ =	swait.ge [sflag:s19], $0x8000  }
.Ltmp0:
0x1a8: {  	[sflag:s19] =	ssyncset.done $0x0;
	(pc) =	sbr.rel @p0 .LBB2_1-.Ltmp0, $4  }
0x1a9: {  	[sflag:s19] =	ssyncadd.s32 $0xFFFF8000  }
0x1aa: {  	_ =	swait.ge [sflag:s21], $0x8000  }
0x1ab: {  	[sflag:s21] =	ssyncset.done $0x0  }
0x1ac: {  	s7 =	sadd.s32 $0xFFFFFFFF, s7;
	[sflag:s21] =	ssyncadd.s32 $0xFFFF8000  }
0x1ad: {  	_ =	sfence.sel $0x180000  }
0x1ae: {  	[bflag:$0x0] =	sbarrier.arrive $0xFFFF  }
0x1af: {  	_ =	strace $0x90000047  }
0x1b0: {  	s0 =	stileid.u32;
	[bflag:$0x2] =	sbarrier.arrive $0xFFFF  }
0x1b1: {  	p0 =	sne.s32 s0, $0x0;
	s0 =	rddreg [dreg:$0x3]  }
0x1b2: {  	s0 =	sadd.s32 @!p0 $0x100000, s0  }
0x1b3: {  	[sflag:s0] =	ssyncadd.tile.s32 @!p0 $0x1;
	_ =	shalt  }
.Lfunc_end2:
_tile_overlayer_lowered:
.L_overlay_start_2:
0x1b4: {  	(tag) =	ssettag $0x2  }
0x1b5: {  	s0 =	rddreg [dreg:$0x0];
	s2 =	stileid.u32  }
0x1b6: {  	s1 =	rddreg [dreg:$0x1];
	p0 =	sne.s32 s2, $0x0  }
0x1b7: {  	s3 =	rddreg [dreg:$0x2];
	[bflag:$0x3] =	sbarrier.arrive $0xFFFF;
	s2 =	simm.s32 @!p0 $0x1C07  }
0x1b8: {  	[timem:s3], [sflag:s2] =	dma.local @!p0 [hbm:s0], s1  }
0x1b9: {  	s0 =	simm.s32 @!p0 $0x7  }
0x1ba: {  	_ =	swait.ge @!p0 [sflag:s0], s1  }
0x1bb: {  	s1 =	ssub.s32 @!p0 $0x0, s1;
	[sflag:s0] =	ssyncset.done @!p0 $0x0  }
0x1bc: {  	[sflag:s0] =	ssyncadd.s32 @!p0 s1  }
0x1bd: {  	[bflag:$0x3] =	sbarrier.arrive $0xFFFF  }
0x1be: {  	_ =	shalt  }

</sc_bundles>
